<compile_context>
chip_gen: v7x
topology: tpu7x:2x2x1
jax: 0.10.2.dev20260603
libtpu: 0.0.44.dev20260713+nightly
codegen_flags: <defaults>
</compile_context>

<pallas_src>
import functools

import numpy as np
import jax
import jax.numpy as jnp
from jax import lax
from jax.experimental import pallas as pl
from jax.experimental.pallas import tpu as pltpu
from jax.experimental.pallas import tpu_sc as plsc

VOCAB = 100000
D = 128
BATCH = 1024
SEQ = 200

NC = 2
NS = 16
NW = NC * NS
TOTAL = BATCH * SEQ
PER_W = TOTAL // NW
CHUNK = SEQ
NCHUNK = PER_W // CHUNK
G0 = 128
G1 = CHUNK - G0
GROUPS = D // 16
NBUF = 3


def _pos_table() -> np.ndarray:
    half = D // 2
    log_inc = np.log(10000.0) / (half - 1)
    inv = np.exp(-log_inc * np.arange(half, dtype=np.float32))
    t = np.arange(SEQ, dtype=np.float32)[:, None] * inv[None, :]
    return np.concatenate([np.sin(t), np.cos(t)], axis=1).astype(np.float32)


_POS = _pos_table()


def _sc_body(table_hbm, idx_hbm, pos_hbm, out_hbm,
             idx_v, pos_v, buf0, buf1, buf2,
             g0, g1, g2, s0, s1, s2):
    bufs = (buf0, buf1, buf2)
    gsems = (g0, g1, g2)
    ssems = (s0, s1, s2)
    wid = lax.axis_index("s") * NC + lax.axis_index("c")
    base = wid * PER_W

    pltpu.sync_copy(idx_hbm.at[pl.ds(base, PER_W)], idx_v)
    pltpu.sync_copy(pos_hbm, pos_v)

    def start_gather(j, b):
        buf = bufs[b]
        pltpu.async_copy(table_hbm.at[idx_v.at[pl.ds(j * CHUNK, G0)]],
                         buf.at[pl.ds(0, G0)], gsems[b])
        pltpu.async_copy(table_hbm.at[idx_v.at[pl.ds(j * CHUNK + G0, G1)]],
                         buf.at[pl.ds(G0, G1)], gsems[b])

    def wait_gather(j, b):
        buf = bufs[b]
        pltpu.make_async_copy(table_hbm.at[idx_v.at[pl.ds(j * CHUNK, G0)]],
                              buf.at[pl.ds(0, G0)], gsems[b]).wait()
        pltpu.make_async_copy(table_hbm.at[idx_v.at[pl.ds(j * CHUNK + G0, G1)]],
                              buf.at[pl.ds(G0, G1)], gsems[b]).wait()

    def start_scatter(j, b):
        pltpu.async_copy(bufs[b], out_hbm.at[pl.ds(base + j * CHUNK, CHUNK)],
                         ssems[b])

    def wait_scatter(j, b):
        pltpu.make_async_copy(bufs[b],
                              out_hbm.at[pl.ds(base + j * CHUNK, CHUNK)],
                              ssems[b]).wait()

    def add_pos(b):
        buf = bufs[b]

        def row_body(r, carry):
            for c in range(GROUPS):
                sl = pl.ds(c * 16, 16)
                plsc.addupdate(buf.at[r, sl], pos_v[r, sl])
            return carry

        lax.fori_loop(0, CHUNK, row_body, 0)

    start_gather(0, 0)
    start_gather(1, 1)

    wait_gather(0, 0)
    add_pos(0)
    start_scatter(0, 0)
    start_gather(2, 2)

    wait_gather(1, 1)
    add_pos(1)
    start_scatter(1, 1)
    wait_scatter(0, 0)
    start_gather(3, 0)

    def mid_body(t, carry):
        for bi in range(3):
            j = 2 + t * 3 + bi
            b = (2 + bi) % 3
            wait_gather(j, b)
            add_pos(b)
            start_scatter(j, b)
            wait_scatter(j - 1, (b + 2) % 3)
            start_gather(j + 2, (b + 2) % 3)
        return carry

    lax.fori_loop(0, 9, mid_body, 0)

    wait_gather(29, 2)
    add_pos(2)
    start_scatter(29, 2)
    wait_scatter(28, 1)
    start_gather(31, 1)

    wait_gather(30, 0)
    add_pos(0)
    start_scatter(30, 0)
    wait_scatter(29, 2)

    wait_gather(31, 1)
    add_pos(1)
    start_scatter(31, 1)
    wait_scatter(30, 0)
    wait_scatter(31, 1)


@functools.partial(jax.jit, static_argnames=())
def _sc_call(table, idx_flat, pos):
    mesh = plsc.VectorSubcoreMesh(
        core_axis_name="c", subcore_axis_name="s", num_cores=NC, num_subcores=NS
    )
    run = pl.kernel(
        _sc_body,
        out_type=jax.ShapeDtypeStruct((TOTAL, D), jnp.float32),
        mesh=mesh,
        scratch_types=[
            pltpu.VMEM((PER_W,), jnp.int32),
            pltpu.VMEM((SEQ, D), jnp.float32),
            pltpu.VMEM((CHUNK, D), jnp.float32),
            pltpu.VMEM((CHUNK, D), jnp.float32),
            pltpu.VMEM((CHUNK, D), jnp.float32),
            pltpu.SemaphoreType.DMA,
            pltpu.SemaphoreType.DMA,
            pltpu.SemaphoreType.DMA,
            pltpu.SemaphoreType.DMA,
            pltpu.SemaphoreType.DMA,
            pltpu.SemaphoreType.DMA,
        ],
    )
    return run(table, idx_flat, pos)


def kernel(x, table):
    idx_flat = x.astype(jnp.int32).reshape(TOTAL)
    pos = jnp.asarray(_POS)
    out = _sc_call(table, idx_flat, pos)
    return out.reshape(BATCH, SEQ, D)

# --- scband reference (transcript-rebuilt; emitter-appended) ---
"""Pipeline reference for scband-positional-embedding-74363063763106 (READ-ONLY COPY).

The authoritative reference and input builder live on the scoring server;
editing this copy changes nothing except your own understanding.
"""

import jax, jax.numpy as jnp
import numpy as np

VOCAB = 100000
D_MODEL = 128
MAX_LEN = 2048
BATCH = 1024
SEQ = 200


def positional_encoding(length, d_model, max_timescale=10000):
    log_timescale_increment = np.log(max_timescale) / (d_model // 2 - 1)
    inv_timescales = np.exp(-log_timescale_increment * np.arange(d_model // 2, dtype=np.float32))
    scaled_time = np.arange(length, dtype=np.float32)[:, None] * inv_timescales[None, :]
    scaled_time = jnp.asarray(scaled_time)
    return jnp.concatenate([jnp.sin(scaled_time), jnp.cos(scaled_time)], axis=1)


def setup_inputs(seed: int = 0) -> dict:
    key = jax.random.key(seed)
    k1, k2 = jax.random.split(key)
    x = jax.random.randint(k1, (BATCH, SEQ), 0, VOCAB)
    table = jax.random.normal(k2, (VOCAB, D_MODEL), dtype=jnp.float32) * 0.02
    return {"x": x, "table": table}


def reference(x, table):
    pos_encoding = positional_encoding(MAX_LEN, D_MODEL)
    length = x.shape[1]
    emb = jnp.take(table, x, axis=0)
    out = emb + pos_encoding[None, :length, :]
    return out

if __name__ == "__main__":
    import jax
    _d = setup_inputs()
    print(jax.jit(kernel)(*tuple(_d.values())))

</pallas_src>

<mosaic_0001>
#map = affine_map<(d0, d1) -> (0, 0)>
#map1 = affine_map<(d0, d1) -> (0)>
module attributes {stable_mosaic.version = 14 : i64} {
  func.func @_sc_body(%arg0: i32, %arg1: i32, %arg2: memref<100000x128xf32, #tpu.memory_space<hbm>>, %arg3: memref<204800xi32, #tpu.memory_space<hbm>>, %arg4: memref<200x128xf32, #tpu.memory_space<hbm>>, %arg5: memref<204800x128xf32, #tpu.memory_space<hbm>>, %arg6: memref<6400xi32, #tpu.memory_space<vmem>>, %arg7: memref<200x128xf32, #tpu.memory_space<vmem>>, %arg8: memref<200x128xf32, #tpu.memory_space<vmem>>, %arg9: memref<200x128xf32, #tpu.memory_space<vmem>>, %arg10: memref<200x128xf32, #tpu.memory_space<vmem>>, %arg11: memref<!tpu.dma_semaphore, #tpu.memory_space<semaphore_mem>>, %arg12: memref<!tpu.dma_semaphore, #tpu.memory_space<semaphore_mem>>, %arg13: memref<!tpu.dma_semaphore, #tpu.memory_space<semaphore_mem>>, %arg14: memref<!tpu.dma_semaphore, #tpu.memory_space<semaphore_mem>>, %arg15: memref<!tpu.dma_semaphore, #tpu.memory_space<semaphore_mem>>, %arg16: memref<!tpu.dma_semaphore, #tpu.memory_space<semaphore_mem>>) attributes {dimension_semantics = [#tpu.dimension_semantics<core_parallel>, #tpu.dimension_semantics<subcore_parallel>], iteration_bounds = array<i64: 2, 16>, scalar_prefetch = 0 : i64, scratch_operands = 11 : i64, tpu.core_type = #tpu.core_type<sc_vector_subcore>, window_params = [{transform_indices = #map}, {transform_indices = #map1}, {transform_indices = #map}, {transform_indices = #map}]} {
    %mul3A = arith.constant 2 : i32
    %mul3A_0 = arith.muli %arg1, %mul3A : i32
    %add3A = arith.addi %mul3A_0, %arg0 : i32
    %mul3A_1 = arith.constant 6400 : i32
    %mul3A_2 = arith.muli %add3A, %mul3A_1 : i32
    "tpu.region"() ({
      %run_scoped3A = tpu.sem_alloc : memref<!tpu.dma_semaphore, #tpu.memory_space<semaphore_mem>>
      %dma_start3A_256 = tpu.memref_slice %arg3[%mul3A_2] : memref<204800xi32, #tpu.memory_space<hbm>> -> memref<6400xi32, #tpu.memory_space<hbm>>
      %dma_start3A_257 = tpu.memref_slice %arg3[%mul3A_2] : memref<204800xi32, #tpu.memory_space<hbm>> -> memref<6400xi32, #tpu.memory_space<hbm>>
      tpu.enqueue_dma source(%dma_start3A_257 : memref<6400xi32, #tpu.memory_space<hbm>>) target(%arg6 : memref<6400xi32, #tpu.memory_space<vmem>>) target_semaphore(%run_scoped3A : memref<!tpu.dma_semaphore, #tpu.memory_space<semaphore_mem>>)
      %dma_wait3A_258 = tpu.memref_slice %arg3[%mul3A_2] : memref<204800xi32, #tpu.memory_space<hbm>> -> memref<6400xi32, #tpu.memory_space<hbm>>
      %dma_wait3A_259 = tpu.memref_slice %arg3[%mul3A_2] : memref<204800xi32, #tpu.memory_space<hbm>> -> memref<6400xi32, #tpu.memory_space<hbm>>
      tpu.wait_dma2 semaphore(%run_scoped3A : memref<!tpu.dma_semaphore, #tpu.memory_space<semaphore_mem>>) src(%dma_wait3A_259 : memref<6400xi32, #tpu.memory_space<hbm>>) dst(%arg6 : memref<6400xi32, #tpu.memory_space<vmem>>)
      tpu.yield
    }) : () -> ()
    "tpu.region"() ({
      %run_scoped3A = tpu.sem_alloc : memref<!tpu.dma_semaphore, #tpu.memory_space<semaphore_mem>>
      tpu.enqueue_dma source(%arg4 : memref<200x128xf32, #tpu.memory_space<hbm>>) target(%arg7 : memref<200x128xf32, #tpu.memory_space<vmem>>) target_semaphore(%run_scoped3A : memref<!tpu.dma_semaphore, #tpu.memory_space<semaphore_mem>>)
      tpu.wait_dma2 semaphore(%run_scoped3A : memref<!tpu.dma_semaphore, #tpu.memory_space<semaphore_mem>>) src(%arg4 : memref<200x128xf32, #tpu.memory_space<hbm>>) dst(%arg7 : memref<200x128xf32, #tpu.memory_space<vmem>>)
      tpu.yield
    }) : () -> ()
    %dma_start3A = arith.constant 0 : i32
    %dma_start3A_3 = arith.constant 0 : i32
    %dma_start3A_4 = tpu.memref_slice %arg8[%dma_start3A, %dma_start3A_3] : memref<200x128xf32, #tpu.memory_space<vmem>> -> memref<128x128xf32, #tpu.memory_space<vmem>>
    %dma_start3A_5 = arith.constant 0 : i32
    %dma_start3A_6 = tpu.memref_slice %arg6[%dma_start3A_5] : memref<6400xi32, #tpu.memory_space<vmem>> -> memref<128xi32, #tpu.memory_space<vmem>>
    %dma_start3A_7 = arith.constant 0 : i32
    %dma_start3A_8 = arith.constant 0 : i32
    %dma_start3A_9 = tpu.memref_slice %arg2[%dma_start3A_7, %dma_start3A_8] : memref<100000x128xf32, #tpu.memory_space<hbm>> -> memref<100000x128xf32, #tpu.memory_space<hbm>>
    tpu.enqueue_indirect_dma source(%dma_start3A_9 : memref<100000x128xf32, #tpu.memory_space<hbm>>) target(%dma_start3A_4 : memref<128x128xf32, #tpu.memory_space<vmem>>) offsets(%dma_start3A_6 : memref<128xi32, #tpu.memory_space<vmem>>) semaphore(%arg11 : memref<!tpu.dma_semaphore, #tpu.memory_space<semaphore_mem>>)
    %dma_start3A_10 = arith.constant 128 : i32
    %dma_start3A_11 = arith.constant 0 : i32
    %dma_start3A_12 = tpu.memref_slice %arg8[%dma_start3A_10, %dma_start3A_11] : memref<200x128xf32, #tpu.memory_space<vmem>> -> memref<72x128xf32, #tpu.memory_space<vmem>>
    %dma_start3A_13 = arith.constant 128 : i32
    %dma_start3A_14 = tpu.memref_slice %arg6[%dma_start3A_13] : memref<6400xi32, #tpu.memory_space<vmem>> -> memref<72xi32, #tpu.memory_space<vmem>>
    %dma_start3A_15 = arith.constant 0 : i32
    %dma_start3A_16 = arith.constant 0 : i32
    %dma_start3A_17 = tpu.memref_slice %arg2[%dma_start3A_15, %dma_start3A_16] : memref<100000x128xf32, #tpu.memory_space<hbm>> -> memref<100000x128xf32, #tpu.memory_space<hbm>>
    tpu.enqueue_indirect_dma source(%dma_start3A_17 : memref<100000x128xf32, #tpu.memory_space<hbm>>) target(%dma_start3A_12 : memref<72x128xf32, #tpu.memory_space<vmem>>) offsets(%dma_start3A_14 : memref<72xi32, #tpu.memory_space<vmem>>) semaphore(%arg11 : memref<!tpu.dma_semaphore, #tpu.memory_space<semaphore_mem>>)
    %dma_start3A_18 = arith.constant 0 : i32
    %dma_start3A_19 = arith.constant 0 : i32
    %dma_start3A_20 = tpu.memref_slice %arg9[%dma_start3A_18, %dma_start3A_19] : memref<200x128xf32, #tpu.memory_space<vmem>> -> memref<128x128xf32, #tpu.memory_space<vmem>>
    %dma_start3A_21 = arith.constant 200 : i32
    %dma_start3A_22 = tpu.memref_slice %arg6[%dma_start3A_21] : memref<6400xi32, #tpu.memory_space<vmem>> -> memref<128xi32, #tpu.memory_space<vmem>>
    %dma_start3A_23 = arith.constant 0 : i32
    %dma_start3A_24 = arith.constant 0 : i32
    %dma_start3A_25 = tpu.memref_slice %arg2[%dma_start3A_23, %dma_start3A_24] : memref<100000x128xf32, #tpu.memory_space<hbm>> -> memref<100000x128xf32, #tpu.memory_space<hbm>>
    tpu.enqueue_indirect_dma source(%dma_start3A_25 : memref<100000x128xf32, #tpu.memory_space<hbm>>) target(%dma_start3A_20 : memref<128x128xf32, #tpu.memory_space<vmem>>) offsets(%dma_start3A_22 : memref<128xi32, #tpu.memory_space<vmem>>) semaphore(%arg12 : memref<!tpu.dma_semaphore, #tpu.memory_space<semaphore_mem>>)
    %dma_start3A_26 = arith.constant 128 : i32
    %dma_start3A_27 = arith.constant 0 : i32
    %dma_start3A_28 = tpu.memref_slice %arg9[%dma_start3A_26, %dma_start3A_27] : memref<200x128xf32, #tpu.memory_space<vmem>> -> memref<72x128xf32, #tpu.memory_space<vmem>>
    %dma_start3A_29 = arith.constant 328 : i32
    %dma_start3A_30 = tpu.memref_slice %arg6[%dma_start3A_29] : memref<6400xi32, #tpu.memory_space<vmem>> -> memref<72xi32, #tpu.memory_space<vmem>>
    %dma_start3A_31 = arith.constant 0 : i32
    %dma_start3A_32 = arith.constant 0 : i32
    %dma_start3A_33 = tpu.memref_slice %arg2[%dma_start3A_31, %dma_start3A_32] : memref<100000x128xf32, #tpu.memory_space<hbm>> -> memref<100000x128xf32, #tpu.memory_space<hbm>>
    tpu.enqueue_indirect_dma source(%dma_start3A_33 : memref<100000x128xf32, #tpu.memory_space<hbm>>) target(%dma_start3A_28 : memref<72x128xf32, #tpu.memory_space<vmem>>) offsets(%dma_start3A_30 : memref<72xi32, #tpu.memory_space<vmem>>) semaphore(%arg12 : memref<!tpu.dma_semaphore, #tpu.memory_space<semaphore_mem>>)
    %dma_wait3A = arith.constant 0 : i32
    %dma_wait3A_34 = arith.constant 0 : i32
    %dma_wait3A_35 = tpu.memref_slice %arg8[%dma_wait3A, %dma_wait3A_34] : memref<200x128xf32, #tpu.memory_space<vmem>> -> memref<128x128xf32, #tpu.memory_space<vmem>>
    %dma_wait3A_36 = arith.constant 0 : i32
    %dma_wait3A_37 = tpu.memref_slice %arg6[%dma_wait3A_36] : memref<6400xi32, #tpu.memory_space<vmem>> -> memref<128xi32, #tpu.memory_space<vmem>>
    %dma_wait3A_38 = arith.constant 0 : i32
    %dma_wait3A_39 = arith.constant 0 : i32
    %dma_wait3A_40 = tpu.memref_slice %arg2[%dma_wait3A_38, %dma_wait3A_39] : memref<100000x128xf32, #tpu.memory_space<hbm>> -> memref<100000x128xf32, #tpu.memory_space<hbm>>
    tpu.wait_indirect_dma semaphore(%arg11 : memref<!tpu.dma_semaphore, #tpu.memory_space<semaphore_mem>>) src(%dma_wait3A_40 : memref<100000x128xf32, #tpu.memory_space<hbm>>) dst(%dma_wait3A_35 : memref<128x128xf32, #tpu.memory_space<vmem>>)
    %dma_wait3A_41 = arith.constant 128 : i32
    %dma_wait3A_42 = arith.constant 0 : i32
    %dma_wait3A_43 = tpu.memref_slice %arg8[%dma_wait3A_41, %dma_wait3A_42] : memref<200x128xf32, #tpu.memory_space<vmem>> -> memref<72x128xf32, #tpu.memory_space<vmem>>
    %dma_wait3A_44 = arith.constant 128 : i32
    %dma_wait3A_45 = tpu.memref_slice %arg6[%dma_wait3A_44] : memref<6400xi32, #tpu.memory_space<vmem>> -> memref<72xi32, #tpu.memory_space<vmem>>
    %dma_wait3A_46 = arith.constant 0 : i32
    %dma_wait3A_47 = arith.constant 0 : i32
    %dma_wait3A_48 = tpu.memref_slice %arg2[%dma_wait3A_46, %dma_wait3A_47] : memref<100000x128xf32, #tpu.memory_space<hbm>> -> memref<100000x128xf32, #tpu.memory_space<hbm>>
    tpu.wait_indirect_dma semaphore(%arg11 : memref<!tpu.dma_semaphore, #tpu.memory_space<semaphore_mem>>) src(%dma_wait3A_48 : memref<100000x128xf32, #tpu.memory_space<hbm>>) dst(%dma_wait3A_43 : memref<72x128xf32, #tpu.memory_space<vmem>>)
    %scan3A = arith.constant 0 : i32
    %scan3A_49 = arith.constant 0 : i32
    %scan3A_50 = arith.constant 200 : i32
    %scan3A_51 = arith.addi %scan3A_49, %scan3A_50 : i32
    %scan3A_52 = arith.constant 1 : i32
    scf.for %scan3A_256 = %scan3A_49 to %scan3A_51 step %scan3A_52  : i32 {
      %get3A = arith.index_cast %scan3A_256 : i32 to index
      %get3A_257 = arith.constant 0 : index
      %get3A_258 = tpu.vector_load %arg7[%get3A, %get3A_257] {strides = array<i32>} : memref<200x128xf32, #tpu.memory_space<vmem>>, vector<1x16xf32>,
      %get3A_259 = vector.shape_cast %get3A_258 : vector<1x16xf32> to vector<16xf32>
      %swap3A = arith.index_cast %scan3A_256 : i32 to index
      %swap3A_260 = arith.constant 0 : index
      %swap3A_261 = tpu.vector_load %arg8[%swap3A, %swap3A_260] {strides = array<i32>} : memref<200x128xf32, #tpu.memory_space<vmem>>, vector<1x16xf32>,
      %swap3A_262 = vector.shape_cast %swap3A_261 : vector<1x16xf32> to vector<16xf32>
      %swap3A_263 = vector.shape_cast %get3A_259 : vector<16xf32> to vector<1x16xf32>
      tpu.vector_store %arg8[%swap3A, %swap3A_260], %swap3A_263 {add = true, strides = array<i32>} : memref<200x128xf32, #tpu.memory_space<vmem>>, vector<1x16xf32>,
      %get3A_264 = arith.index_cast %scan3A_256 : i32 to index
      %get3A_265 = arith.constant 16 : index
      %get3A_266 = tpu.vector_load %arg7[%get3A_264, %get3A_265] {strides = array<i32>} : memref<200x128xf32, #tpu.memory_space<vmem>>, vector<1x16xf32>,
      %get3A_267 = vector.shape_cast %get3A_266 : vector<1x16xf32> to vector<16xf32>
      %swap3A_268 = arith.index_cast %scan3A_256 : i32 to index
      %swap3A_269 = arith.constant 16 : index
      %swap3A_270 = tpu.vector_load %arg8[%swap3A_268, %swap3A_269] {strides = array<i32>} : memref<200x128xf32, #tpu.memory_space<vmem>>, vector<1x16xf32>,
      %swap3A_271 = vector.shape_cast %swap3A_270 : vector<1x16xf32> to vector<16xf32>
      %swap3A_272 = vector.shape_cast %get3A_267 : vector<16xf32> to vector<1x16xf32>
      tpu.vector_store %arg8[%swap3A_268, %swap3A_269], %swap3A_272 {add = true, strides = array<i32>} : memref<200x128xf32, #tpu.memory_space<vmem>>, vector<1x16xf32>,
      %get3A_273 = arith.index_cast %scan3A_256 : i32 to index
      %get3A_274 = arith.constant 32 : index
      %get3A_275 = tpu.vector_load %arg7[%get3A_273, %get3A_274] {strides = array<i32>} : memref<200x128xf32, #tpu.memory_space<vmem>>, vector<1x16xf32>,
      %get3A_276 = vector.shape_cast %get3A_275 : vector<1x16xf32> to vector<16xf32>
      %swap3A_277 = arith.index_cast %scan3A_256 : i32 to index
      %swap3A_278 = arith.constant 32 : index
      %swap3A_279 = tpu.vector_load %arg8[%swap3A_277, %swap3A_278] {strides = array<i32>} : memref<200x128xf32, #tpu.memory_space<vmem>>, vector<1x16xf32>,
      %swap3A_280 = vector.shape_cast %swap3A_279 : vector<1x16xf32> to vector<16xf32>
      %swap3A_281 = vector.shape_cast %get3A_276 : vector<16xf32> to vector<1x16xf32>
      tpu.vector_store %arg8[%swap3A_277, %swap3A_278], %swap3A_281 {add = true, strides = array<i32>} : memref<200x128xf32, #tpu.memory_space<vmem>>, vector<1x16xf32>,
      %get3A_282 = arith.index_cast %scan3A_256 : i32 to index
      %get3A_283 = arith.constant 48 : index
      %get3A_284 = tpu.vector_load %arg7[%get3A_282, %get3A_283] {strides = array<i32>} : memref<200x128xf32, #tpu.memory_space<vmem>>, vector<1x16xf32>,
      %get3A_285 = vector.shape_cast %get3A_284 : vector<1x16xf32> to vector<16xf32>
      %swap3A_286 = arith.index_cast %scan3A_256 : i32 to index
      %swap3A_287 = arith.constant 48 : index
      %swap3A_288 = tpu.vector_load %arg8[%swap3A_286, %swap3A_287] {strides = array<i32>} : memref<200x128xf32, #tpu.memory_space<vmem>>, vector<1x16xf32>,
      %swap3A_289 = vector.shape_cast %swap3A_288 : vector<1x16xf32> to vector<16xf32>
      %swap3A_290 = vector.shape_cast %get3A_285 : vector<16xf32> to vector<1x16xf32>
      tpu.vector_store %arg8[%swap3A_286, %swap3A_287], %swap3A_290 {add = true, strides = array<i32>} : memref<200x128xf32, #tpu.memory_space<vmem>>, vector<1x16xf32>,
      %get3A_291 = arith.index_cast %scan3A_256 : i32 to index
      %get3A_292 = arith.constant 64 : index
      %get3A_293 = tpu.vector_load %arg7[%get3A_291, %get3A_292] {strides = array<i32>} : memref<200x128xf32, #tpu.memory_space<vmem>>, vector<1x16xf32>,
      %get3A_294 = vector.shape_cast %get3A_293 : vector<1x16xf32> to vector<16xf32>
      %swap3A_295 = arith.index_cast %scan3A_256 : i32 to index
      %swap3A_296 = arith.constant 64 : index
      %swap3A_297 = tpu.vector_load %arg8[%swap3A_295, %swap3A_296] {strides = array<i32>} : memref<200x128xf32, #tpu.memory_space<vmem>>, vector<1x16xf32>,
      %swap3A_298 = vector.shape_cast %swap3A_297 : vector<1x16xf32> to vector<16xf32>
      %swap3A_299 = vector.shape_cast %get3A_294 : vector<16xf32> to vector<1x16xf32>
      tpu.vector_store %arg8[%swap3A_295, %swap3A_296], %swap3A_299 {add = true, strides = array<i32>} : memref<200x128xf32, #tpu.memory_space<vmem>>, vector<1x16xf32>,
      %get3A_300 = arith.index_cast %scan3A_256 : i32 to index
      %get3A_301 = arith.constant 80 : index
      %get3A_302 = tpu.vector_load %arg7[%get3A_300, %get3A_301] {strides = array<i32>} : memref<200x128xf32, #tpu.memory_space<vmem>>, vector<1x16xf32>,
      %get3A_303 = vector.shape_cast %get3A_302 : vector<1x16xf32> to vector<16xf32>
      %swap3A_304 = arith.index_cast %scan3A_256 : i32 to index
      %swap3A_305 = arith.constant 80 : index
      %swap3A_306 = tpu.vector_load %arg8[%swap3A_304, %swap3A_305] {strides = array<i32>} : memref<200x128xf32, #tpu.memory_space<vmem>>, vector<1x16xf32>,
      %swap3A_307 = vector.shape_cast %swap3A_306 : vector<1x16xf32> to vector<16xf32>
      %swap3A_308 = vector.shape_cast %get3A_303 : vector<16xf32> to vector<1x16xf32>
      tpu.vector_store %arg8[%swap3A_304, %swap3A_305], %swap3A_308 {add = true, strides = array<i32>} : memref<200x128xf32, #tpu.memory_space<vmem>>, vector<1x16xf32>,
      %get3A_309 = arith.index_cast %scan3A_256 : i32 to index
      %get3A_310 = arith.constant 96 : index
      %get3A_311 = tpu.vector_load %arg7[%get3A_309, %get3A_310] {strides = array<i32>} : memref<200x128xf32, #tpu.memory_space<vmem>>, vector<1x16xf32>,
      %get3A_312 = vector.shape_cast %get3A_311 : vector<1x16xf32> to vector<16xf32>
      %swap3A_313 = arith.index_cast %scan3A_256 : i32 to index
      %swap3A_314 = arith.constant 96 : index
      %swap3A_315 = tpu.vector_load %arg8[%swap3A_313, %swap3A_314] {strides = array<i32>} : memref<200x128xf32, #tpu.memory_space<vmem>>, vector<1x16xf32>,
      %swap3A_316 = vector.shape_cast %swap3A_315 : vector<1x16xf32> to vector<16xf32>
      %swap3A_317 = vector.shape_cast %get3A_312 : vector<16xf32> to vector<1x16xf32>
      tpu.vector_store %arg8[%swap3A_313, %swap3A_314], %swap3A_317 {add = true, strides = array<i32>} : memref<200x128xf32, #tpu.memory_space<vmem>>, vector<1x16xf32>,
      %get3A_318 = arith.index_cast %scan3A_256 : i32 to index
      %get3A_319 = arith.constant 112 : index
      %get3A_320 = tpu.vector_load %arg7[%get3A_318, %get3A_319] {strides = array<i32>} : memref<200x128xf32, #tpu.memory_space<vmem>>, vector<1x16xf32>,
      %get3A_321 = vector.shape_cast %get3A_320 : vector<1x16xf32> to vector<16xf32>
      %swap3A_322 = arith.index_cast %scan3A_256 : i32 to index
      %swap3A_323 = arith.constant 112 : index
      %swap3A_324 = tpu.vector_load %arg8[%swap3A_322, %swap3A_323] {strides = array<i32>} : memref<200x128xf32, #tpu.memory_space<vmem>>, vector<1x16xf32>,
      %swap3A_325 = vector.shape_cast %swap3A_324 : vector<1x16xf32> to vector<16xf32>
      %swap3A_326 = vector.shape_cast %get3A_321 : vector<16xf32> to vector<1x16xf32>
      tpu.vector_store %arg8[%swap3A_322, %swap3A_323], %swap3A_326 {add = true, strides = array<i32>} : memref<200x128xf32, #tpu.memory_space<vmem>>, vector<1x16xf32>,
    }
    %scan3A_53 = arith.constant 200 : i32
    %add3A_54 = arith.constant 0 : i32
    %add3A_55 = arith.addi %mul3A_2, %add3A_54 : i32
    %dma_start3A_56 = arith.constant 0 : i32
    %dma_start3A_57 = tpu.memref_slice %arg5[%add3A_55, %dma_start3A_56] : memref<204800x128xf32, #tpu.memory_space<hbm>> -> memref<200x128xf32, #tpu.memory_space<hbm>>
    %dma_start3A_58 = arith.constant 0 : i32
    %dma_start3A_59 = tpu.memref_slice %arg5[%add3A_55, %dma_start3A_58] : memref<204800x128xf32, #tpu.memory_space<hbm>> -> memref<200x128xf32, #tpu.memory_space<hbm>>
    tpu.enqueue_dma source(%arg8 : memref<200x128xf32, #tpu.memory_space<vmem>>) target(%dma_start3A_59 : memref<200x128xf32, #tpu.memory_space<hbm>>) target_semaphore(%arg14 : memref<!tpu.dma_semaphore, #tpu.memory_space<semaphore_mem>>)
    %dma_start3A_60 = arith.constant 0 : i32
    %dma_start3A_61 = arith.constant 0 : i32
    %dma_start3A_62 = tpu.memref_slice %arg10[%dma_start3A_60, %dma_start3A_61] : memref<200x128xf32, #tpu.memory_space<vmem>> -> memref<128x128xf32, #tpu.memory_space<vmem>>
    %dma_start3A_63 = arith.constant 400 : i32
    %dma_start3A_64 = tpu.memref_slice %arg6[%dma_start3A_63] : memref<6400xi32, #tpu.memory_space<vmem>> -> memref<128xi32, #tpu.memory_space<vmem>>
    %dma_start3A_65 = arith.constant 0 : i32
    %dma_start3A_66 = arith.constant 0 : i32
    %dma_start3A_67 = tpu.memref_slice %arg2[%dma_start3A_65, %dma_start3A_66] : memref<100000x128xf32, #tpu.memory_space<hbm>> -> memref<100000x128xf32, #tpu.memory_space<hbm>>
    tpu.enqueue_indirect_dma source(%dma_start3A_67 : memref<100000x128xf32, #tpu.memory_space<hbm>>) target(%dma_start3A_62 : memref<128x128xf32, #tpu.memory_space<vmem>>) offsets(%dma_start3A_64 : memref<128xi32, #tpu.memory_space<vmem>>) semaphore(%arg13 : memref<!tpu.dma_semaphore, #tpu.memory_space<semaphore_mem>>)
    %dma_start3A_68 = arith.constant 128 : i32
    %dma_start3A_69 = arith.constant 0 : i32
    %dma_start3A_70 = tpu.memref_slice %arg10[%dma_start3A_68, %dma_start3A_69] : memref<200x128xf32, #tpu.memory_space<vmem>> -> memref<72x128xf32, #tpu.memory_space<vmem>>
    %dma_start3A_71 = arith.constant 528 : i32
    %dma_start3A_72 = tpu.memref_slice %arg6[%dma_start3A_71] : memref<6400xi32, #tpu.memory_space<vmem>> -> memref<72xi32, #tpu.memory_space<vmem>>
    %dma_start3A_73 = arith.constant 0 : i32
    %dma_start3A_74 = arith.constant 0 : i32
    %dma_start3A_75 = tpu.memref_slice %arg2[%dma_start3A_73, %dma_start3A_74] : memref<100000x128xf32, #tpu.memory_space<hbm>> -> memref<100000x128xf32, #tpu.memory_space<hbm>>
    tpu.enqueue_indirect_dma source(%dma_start3A_75 : memref<100000x128xf32, #tpu.memory_space<hbm>>) target(%dma_start3A_70 : memref<72x128xf32, #tpu.memory_space<vmem>>) offsets(%dma_start3A_72 : memref<72xi32, #tpu.memory_space<vmem>>) semaphore(%arg13 : memref<!tpu.dma_semaphore, #tpu.memory_space<semaphore_mem>>)
    %dma_wait3A_76 = arith.constant 0 : i32
    %dma_wait3A_77 = arith.constant 0 : i32
    %dma_wait3A_78 = tpu.memref_slice %arg9[%dma_wait3A_76, %dma_wait3A_77] : memref<200x128xf32, #tpu.memory_space<vmem>> -> memref<128x128xf32, #tpu.memory_space<vmem>>
    %dma_wait3A_79 = arith.constant 200 : i32
    %dma_wait3A_80 = tpu.memref_slice %arg6[%dma_wait3A_79] : memref<6400xi32, #tpu.memory_space<vmem>> -> memref<128xi32, #tpu.memory_space<vmem>>
    %dma_wait3A_81 = arith.constant 0 : i32
    %dma_wait3A_82 = arith.constant 0 : i32
    %dma_wait3A_83 = tpu.memref_slice %arg2[%dma_wait3A_81, %dma_wait3A_82] : memref<100000x128xf32, #tpu.memory_space<hbm>> -> memref<100000x128xf32, #tpu.memory_space<hbm>>
    tpu.wait_indirect_dma semaphore(%arg12 : memref<!tpu.dma_semaphore, #tpu.memory_space<semaphore_mem>>) src(%dma_wait3A_83 : memref<100000x128xf32, #tpu.memory_space<hbm>>) dst(%dma_wait3A_78 : memref<128x128xf32, #tpu.memory_space<vmem>>)
    %dma_wait3A_84 = arith.constant 128 : i32
    %dma_wait3A_85 = arith.constant 0 : i32
    %dma_wait3A_86 = tpu.memref_slice %arg9[%dma_wait3A_84, %dma_wait3A_85] : memref<200x128xf32, #tpu.memory_space<vmem>> -> memref<72x128xf32, #tpu.memory_space<vmem>>
    %dma_wait3A_87 = arith.constant 328 : i32
    %dma_wait3A_88 = tpu.memref_slice %arg6[%dma_wait3A_87] : memref<6400xi32, #tpu.memory_space<vmem>> -> memref<72xi32, #tpu.memory_space<vmem>>
    %dma_wait3A_89 = arith.constant 0 : i32
    %dma_wait3A_90 = arith.constant 0 : i32
    %dma_wait3A_91 = tpu.memref_slice %arg2[%dma_wait3A_89, %dma_wait3A_90] : memref<100000x128xf32, #tpu.memory_space<hbm>> -> memref<100000x128xf32, #tpu.memory_space<hbm>>
    tpu.wait_indirect_dma semaphore(%arg12 : memref<!tpu.dma_semaphore, #tpu.memory_space<semaphore_mem>>) src(%dma_wait3A_91 : memref<100000x128xf32, #tpu.memory_space<hbm>>) dst(%dma_wait3A_86 : memref<72x128xf32, #tpu.memory_space<vmem>>)
    %scan3A_92 = arith.constant 0 : i32
    %scan3A_93 = arith.constant 0 : i32
    %scan3A_94 = arith.constant 200 : i32
    %scan3A_95 = arith.addi %scan3A_93, %scan3A_94 : i32
    %scan3A_96 = arith.constant 1 : i32
    scf.for %scan3A_256 = %scan3A_93 to %scan3A_95 step %scan3A_96  : i32 {
      %get3A = arith.index_cast %scan3A_256 : i32 to index
      %get3A_257 = arith.constant 0 : index
      %get3A_258 = tpu.vector_load %arg7[%get3A, %get3A_257] {strides = array<i32>} : memref<200x128xf32, #tpu.memory_space<vmem>>, vector<1x16xf32>,
      %get3A_259 = vector.shape_cast %get3A_258 : vector<1x16xf32> to vector<16xf32>
      %swap3A = arith.index_cast %scan3A_256 : i32 to index
      %swap3A_260 = arith.constant 0 : index
      %swap3A_261 = tpu.vector_load %arg9[%swap3A, %swap3A_260] {strides = array<i32>} : memref<200x128xf32, #tpu.memory_space<vmem>>, vector<1x16xf32>,
      %swap3A_262 = vector.shape_cast %swap3A_261 : vector<1x16xf32> to vector<16xf32>
      %swap3A_263 = vector.shape_cast %get3A_259 : vector<16xf32> to vector<1x16xf32>
      tpu.vector_store %arg9[%swap3A, %swap3A_260], %swap3A_263 {add = true, strides = array<i32>} : memref<200x128xf32, #tpu.memory_space<vmem>>, vector<1x16xf32>,
      %get3A_264 = arith.index_cast %scan3A_256 : i32 to index
      %get3A_265 = arith.constant 16 : index
      %get3A_266 = tpu.vector_load %arg7[%get3A_264, %get3A_265] {strides = array<i32>} : memref<200x128xf32, #tpu.memory_space<vmem>>, vector<1x16xf32>,
      %get3A_267 = vector.shape_cast %get3A_266 : vector<1x16xf32> to vector<16xf32>
      %swap3A_268 = arith.index_cast %scan3A_256 : i32 to index
      %swap3A_269 = arith.constant 16 : index
      %swap3A_270 = tpu.vector_load %arg9[%swap3A_268, %swap3A_269] {strides = array<i32>} : memref<200x128xf32, #tpu.memory_space<vmem>>, vector<1x16xf32>,
      %swap3A_271 = vector.shape_cast %swap3A_270 : vector<1x16xf32> to vector<16xf32>
      %swap3A_272 = vector.shape_cast %get3A_267 : vector<16xf32> to vector<1x16xf32>
      tpu.vector_store %arg9[%swap3A_268, %swap3A_269], %swap3A_272 {add = true, strides = array<i32>} : memref<200x128xf32, #tpu.memory_space<vmem>>, vector<1x16xf32>,
      %get3A_273 = arith.index_cast %scan3A_256 : i32 to index
      %get3A_274 = arith.constant 32 : index
      %get3A_275 = tpu.vector_load %arg7[%get3A_273, %get3A_274] {strides = array<i32>} : memref<200x128xf32, #tpu.memory_space<vmem>>, vector<1x16xf32>,
      %get3A_276 = vector.shape_cast %get3A_275 : vector<1x16xf32> to vector<16xf32>
      %swap3A_277 = arith.index_cast %scan3A_256 : i32 to index
      %swap3A_278 = arith.constant 32 : index
      %swap3A_279 = tpu.vector_load %arg9[%swap3A_277, %swap3A_278] {strides = array<i32>} : memref<200x128xf32, #tpu.memory_space<vmem>>, vector<1x16xf32>,
      %swap3A_280 = vector.shape_cast %swap3A_279 : vector<1x16xf32> to vector<16xf32>
      %swap3A_281 = vector.shape_cast %get3A_276 : vector<16xf32> to vector<1x16xf32>
      tpu.vector_store %arg9[%swap3A_277, %swap3A_278], %swap3A_281 {add = true, strides = array<i32>} : memref<200x128xf32, #tpu.memory_space<vmem>>, vector<1x16xf32>,
      %get3A_282 = arith.index_cast %scan3A_256 : i32 to index
      %get3A_283 = arith.constant 48 : index
      %get3A_284 = tpu.vector_load %arg7[%get3A_282, %get3A_283] {strides = array<i32>} : memref<200x128xf32, #tpu.memory_space<vmem>>, vector<1x16xf32>,
      %get3A_285 = vector.shape_cast %get3A_284 : vector<1x16xf32> to vector<16xf32>
      %swap3A_286 = arith.index_cast %scan3A_256 : i32 to index
      %swap3A_287 = arith.constant 48 : index
      %swap3A_288 = tpu.vector_load %arg9[%swap3A_286, %swap3A_287] {strides = array<i32>} : memref<200x128xf32, #tpu.memory_space<vmem>>, vector<1x16xf32>,
      %swap3A_289 = vector.shape_cast %swap3A_288 : vector<1x16xf32> to vector<16xf32>
      %swap3A_290 = vector.shape_cast %get3A_285 : vector<16xf32> to vector<1x16xf32>
      tpu.vector_store %arg9[%swap3A_286, %swap3A_287], %swap3A_290 {add = true, strides = array<i32>} : memref<200x128xf32, #tpu.memory_space<vmem>>, vector<1x16xf32>,
      %get3A_291 = arith.index_cast %scan3A_256 : i32 to index
      %get3A_292 = arith.constant 64 : index
      %get3A_293 = tpu.vector_load %arg7[%get3A_291, %get3A_292] {strides = array<i32>} : memref<200x128xf32, #tpu.memory_space<vmem>>, vector<1x16xf32>,
      %get3A_294 = vector.shape_cast %get3A_293 : vector<1x16xf32> to vector<16xf32>
      %swap3A_295 = arith.index_cast %scan3A_256 : i32 to index
      %swap3A_296 = arith.constant 64 : index
      %swap3A_297 = tpu.vector_load %arg9[%swap3A_295, %swap3A_296] {strides = array<i32>} : memref<200x128xf32, #tpu.memory_space<vmem>>, vector<1x16xf32>,
      %swap3A_298 = vector.shape_cast %swap3A_297 : vector<1x16xf32> to vector<16xf32>
      %swap3A_299 = vector.shape_cast %get3A_294 : vector<16xf32> to vector<1x16xf32>
      tpu.vector_store %arg9[%swap3A_295, %swap3A_296], %swap3A_299 {add = true, strides = array<i32>} : memref<200x128xf32, #tpu.memory_space<vmem>>, vector<1x16xf32>,
      %get3A_300 = arith.index_cast %scan3A_256 : i32 to index
      %get3A_301 = arith.constant 80 : index
      %get3A_302 = tpu.vector_load %arg7[%get3A_300, %get3A_301] {strides = array<i32>} : memref<200x128xf32, #tpu.memory_space<vmem>>, vector<1x16xf32>,
      %get3A_303 = vector.shape_cast %get3A_302 : vector<1x16xf32> to vector<16xf32>
      %swap3A_304 = arith.index_cast %scan3A_256 : i32 to index
      %swap3A_305 = arith.constant 80 : index
      %swap3A_306 = tpu.vector_load %arg9[%swap3A_304, %swap3A_305] {strides = array<i32>} : memref<200x128xf32, #tpu.memory_space<vmem>>, vector<1x16xf32>,
      %swap3A_307 = vector.shape_cast %swap3A_306 : vector<1x16xf32> to vector<16xf32>
      %swap3A_308 = vector.shape_cast %get3A_303 : vector<16xf32> to vector<1x16xf32>
      tpu.vector_store %arg9[%swap3A_304, %swap3A_305], %swap3A_308 {add = true, strides = array<i32>} : memref<200x128xf32, #tpu.memory_space<vmem>>, vector<1x16xf32>,
      %get3A_309 = arith.index_cast %scan3A_256 : i32 to index
      %get3A_310 = arith.constant 96 : index
      %get3A_311 = tpu.vector_load %arg7[%get3A_309, %get3A_310] {strides = array<i32>} : memref<200x128xf32, #tpu.memory_space<vmem>>, vector<1x16xf32>,
      %get3A_312 = vector.shape_cast %get3A_311 : vector<1x16xf32> to vector<16xf32>
      %swap3A_313 = arith.index_cast %scan3A_256 : i32 to index
      %swap3A_314 = arith.constant 96 : index
      %swap3A_315 = tpu.vector_load %arg9[%swap3A_313, %swap3A_314] {strides = array<i32>} : memref<200x128xf32, #tpu.memory_space<vmem>>, vector<1x16xf32>,
      %swap3A_316 = vector.shape_cast %swap3A_315 : vector<1x16xf32> to vector<16xf32>
      %swap3A_317 = vector.shape_cast %get3A_312 : vector<16xf32> to vector<1x16xf32>
      tpu.vector_store %arg9[%swap3A_313, %swap3A_314], %swap3A_317 {add = true, strides = array<i32>} : memref<200x128xf32, #tpu.memory_space<vmem>>, vector<1x16xf32>,
      %get3A_318 = arith.index_cast %scan3A_256 : i32 to index
      %get3A_319 = arith.constant 112 : index
      %get3A_320 = tpu.vector_load %arg7[%get3A_318, %get3A_319] {strides = array<i32>} : memref<200x128xf32, #tpu.memory_space<vmem>>, vector<1x16xf32>,
      %get3A_321 = vector.shape_cast %get3A_320 : vector<1x16xf32> to vector<16xf32>
      %swap3A_322 = arith.index_cast %scan3A_256 : i32 to index
      %swap3A_323 = arith.constant 112 : index
      %swap3A_324 = tpu.vector_load %arg9[%swap3A_322, %swap3A_323] {strides = array<i32>} : memref<200x128xf32, #tpu.memory_space<vmem>>, vector<1x16xf32>,
      %swap3A_325 = vector.shape_cast %swap3A_324 : vector<1x16xf32> to vector<16xf32>
      %swap3A_326 = vector.shape_cast %get3A_321 : vector<16xf32> to vector<1x16xf32>
      tpu.vector_store %arg9[%swap3A_322, %swap3A_323], %swap3A_326 {add = true, strides = array<i32>} : memref<200x128xf32, #tpu.memory_space<vmem>>, vector<1x16xf32>,
    }
    %scan3A_97 = arith.constant 200 : i32
    %add3A_98 = arith.constant 200 : i32
    %add3A_99 = arith.addi %mul3A_2, %add3A_98 : i32
    %dma_start3A_100 = arith.constant 0 : i32
    %dma_start3A_101 = tpu.memref_slice %arg5[%add3A_99, %dma_start3A_100] : memref<204800x128xf32, #tpu.memory_space<hbm>> -> memref<200x128xf32, #tpu.memory_space<hbm>>
    %dma_start3A_102 = arith.constant 0 : i32
    %dma_start3A_103 = tpu.memref_slice %arg5[%add3A_99, %dma_start3A_102] : memref<204800x128xf32, #tpu.memory_space<hbm>> -> memref<200x128xf32, #tpu.memory_space<hbm>>
    tpu.enqueue_dma source(%arg9 : memref<200x128xf32, #tpu.memory_space<vmem>>) target(%dma_start3A_103 : memref<200x128xf32, #tpu.memory_space<hbm>>) target_semaphore(%arg15 : memref<!tpu.dma_semaphore, #tpu.memory_space<semaphore_mem>>)
    %add3A_104 = arith.constant 0 : i32
    %add3A_105 = arith.addi %mul3A_2, %add3A_104 : i32
    %dma_wait3A_106 = arith.constant 0 : i32
    %dma_wait3A_107 = tpu.memref_slice %arg5[%add3A_105, %dma_wait3A_106] : memref<204800x128xf32, #tpu.memory_space<hbm>> -> memref<200x128xf32, #tpu.memory_space<hbm>>
    %dma_wait3A_108 = arith.constant 0 : i32
    %dma_wait3A_109 = tpu.memref_slice %arg5[%add3A_105, %dma_wait3A_108] : memref<204800x128xf32, #tpu.memory_space<hbm>> -> memref<200x128xf32, #tpu.memory_space<hbm>>
    tpu.wait_dma2 semaphore(%arg14 : memref<!tpu.dma_semaphore, #tpu.memory_space<semaphore_mem>>) src(%arg8 : memref<200x128xf32, #tpu.memory_space<vmem>>) dst(%dma_wait3A_109 : memref<200x128xf32, #tpu.memory_space<hbm>>)
    %dma_start3A_110 = arith.constant 0 : i32
    %dma_start3A_111 = arith.constant 0 : i32
    %dma_start3A_112 = tpu.memref_slice %arg8[%dma_start3A_110, %dma_start3A_111] : memref<200x128xf32, #tpu.memory_space<vmem>> -> memref<128x128xf32, #tpu.memory_space<vmem>>
    %dma_start3A_113 = arith.constant 600 : i32
    %dma_start3A_114 = tpu.memref_slice %arg6[%dma_start3A_113] : memref<6400xi32, #tpu.memory_space<vmem>> -> memref<128xi32, #tpu.memory_space<vmem>>
    %dma_start3A_115 = arith.constant 0 : i32
    %dma_start3A_116 = arith.constant 0 : i32
    %dma_start3A_117 = tpu.memref_slice %arg2[%dma_start3A_115, %dma_start3A_116] : memref<100000x128xf32, #tpu.memory_space<hbm>> -> memref<100000x128xf32, #tpu.memory_space<hbm>>
    tpu.enqueue_indirect_dma source(%dma_start3A_117 : memref<100000x128xf32, #tpu.memory_space<hbm>>) target(%dma_start3A_112 : memref<128x128xf32, #tpu.memory_space<vmem>>) offsets(%dma_start3A_114 : memref<128xi32, #tpu.memory_space<vmem>>) semaphore(%arg11 : memref<!tpu.dma_semaphore, #tpu.memory_space<semaphore_mem>>)
    %dma_start3A_118 = arith.constant 128 : i32
    %dma_start3A_119 = arith.constant 0 : i32
    %dma_start3A_120 = tpu.memref_slice %arg8[%dma_start3A_118, %dma_start3A_119] : memref<200x128xf32, #tpu.memory_space<vmem>> -> memref<72x128xf32, #tpu.memory_space<vmem>>
    %dma_start3A_121 = arith.constant 728 : i32
    %dma_start3A_122 = tpu.memref_slice %arg6[%dma_start3A_121] : memref<6400xi32, #tpu.memory_space<vmem>> -> memref<72xi32, #tpu.memory_space<vmem>>
    %dma_start3A_123 = arith.constant 0 : i32
    %dma_start3A_124 = arith.constant 0 : i32
    %dma_start3A_125 = tpu.memref_slice %arg2[%dma_start3A_123, %dma_start3A_124] : memref<100000x128xf32, #tpu.memory_space<hbm>> -> memref<100000x128xf32, #tpu.memory_space<hbm>>
    tpu.enqueue_indirect_dma source(%dma_start3A_125 : memref<100000x128xf32, #tpu.memory_space<hbm>>) target(%dma_start3A_120 : memref<72x128xf32, #tpu.memory_space<vmem>>) offsets(%dma_start3A_122 : memref<72xi32, #tpu.memory_space<vmem>>) semaphore(%arg11 : memref<!tpu.dma_semaphore, #tpu.memory_space<semaphore_mem>>)
    %scan3A_126 = arith.constant 0 : i32
    %scan3A_127 = arith.constant 0 : i32
    %scan3A_128 = arith.constant 9 : i32
    %scan3A_129 = arith.addi %scan3A_127, %scan3A_128 : i32
    %scan3A_130 = arith.constant 1 : i32
    scf.for %scan3A_256 = %scan3A_127 to %scan3A_129 step %scan3A_130  : i32 {
      %mul3A_257 = arith.constant 3 : i32
      %mul3A_258 = arith.muli %scan3A_256, %mul3A_257 : i32
      %add3A_259 = arith.constant 2 : i32
      %add3A_260 = arith.addi %add3A_259, %mul3A_258 : i32
      %add3A_261 = arith.constant 0 : i32
      %add3A_262 = arith.addi %add3A_260, %add3A_261 : i32
      %mul3A_263 = arith.constant 200 : i32
      %mul3A_264 = arith.muli %add3A_262, %mul3A_263 : i32
      %dma_wait3A_265 = arith.constant 0 : i32
      %dma_wait3A_266 = arith.constant 0 : i32
      %dma_wait3A_267 = tpu.memref_slice %arg10[%dma_wait3A_265, %dma_wait3A_266] : memref<200x128xf32, #tpu.memory_space<vmem>> -> memref<128x128xf32, #tpu.memory_space<vmem>>
      %dma_wait3A_268 = tpu.memref_slice %arg6[%mul3A_264] : memref<6400xi32, #tpu.memory_space<vmem>> -> memref<128xi32, #tpu.memory_space<vmem>>
      %dma_wait3A_269 = arith.constant 0 : i32
      %dma_wait3A_270 = arith.constant 0 : i32
      %dma_wait3A_271 = tpu.memref_slice %arg2[%dma_wait3A_269, %dma_wait3A_270] : memref<100000x128xf32, #tpu.memory_space<hbm>> -> memref<100000x128xf32, #tpu.memory_space<hbm>>
      tpu.wait_indirect_dma semaphore(%arg13 : memref<!tpu.dma_semaphore, #tpu.memory_space<semaphore_mem>>) src(%dma_wait3A_271 : memref<100000x128xf32, #tpu.memory_space<hbm>>) dst(%dma_wait3A_267 : memref<128x128xf32, #tpu.memory_space<vmem>>)
      %mul3A_272 = arith.constant 200 : i32
      %mul3A_273 = arith.muli %add3A_262, %mul3A_272 : i32
      %add3A_274 = arith.constant 128 : i32
      %add3A_275 = arith.addi %mul3A_273, %add3A_274 : i32
      %dma_wait3A_276 = arith.constant 128 : i32
      %dma_wait3A_277 = arith.constant 0 : i32
      %dma_wait3A_278 = tpu.memref_slice %arg10[%dma_wait3A_276, %dma_wait3A_277] : memref<200x128xf32, #tpu.memory_space<vmem>> -> memref<72x128xf32, #tpu.memory_space<vmem>>
      %dma_wait3A_279 = tpu.memref_slice %arg6[%add3A_275] : memref<6400xi32, #tpu.memory_space<vmem>> -> memref<72xi32, #tpu.memory_space<vmem>>
      %dma_wait3A_280 = arith.constant 0 : i32
      %dma_wait3A_281 = arith.constant 0 : i32
      %dma_wait3A_282 = tpu.memref_slice %arg2[%dma_wait3A_280, %dma_wait3A_281] : memref<100000x128xf32, #tpu.memory_space<hbm>> -> memref<100000x128xf32, #tpu.memory_space<hbm>>
      tpu.wait_indirect_dma semaphore(%arg13 : memref<!tpu.dma_semaphore, #tpu.memory_space<semaphore_mem>>) src(%dma_wait3A_282 : memref<100000x128xf32, #tpu.memory_space<hbm>>) dst(%dma_wait3A_278 : memref<72x128xf32, #tpu.memory_space<vmem>>)
      %scan3A_283 = arith.constant 0 : i32
      %scan3A_284 = arith.constant 0 : i32
      %scan3A_285 = arith.constant 200 : i32
      %scan3A_286 = arith.addi %scan3A_284, %scan3A_285 : i32
      %scan3A_287 = arith.constant 1 : i32
      scf.for %scan3A_466 = %scan3A_284 to %scan3A_286 step %scan3A_287  : i32 {
        %get3A = arith.index_cast %scan3A_466 : i32 to index
        %get3A_467 = arith.constant 0 : index
        %get3A_468 = tpu.vector_load %arg7[%get3A, %get3A_467] {strides = array<i32>} : memref<200x128xf32, #tpu.memory_space<vmem>>, vector<1x16xf32>,
        %get3A_469 = vector.shape_cast %get3A_468 : vector<1x16xf32> to vector<16xf32>
        %swap3A = arith.index_cast %scan3A_466 : i32 to index
        %swap3A_470 = arith.constant 0 : index
        %swap3A_471 = tpu.vector_load %arg10[%swap3A, %swap3A_470] {strides = array<i32>} : memref<200x128xf32, #tpu.memory_space<vmem>>, vector<1x16xf32>,
        %swap3A_472 = vector.shape_cast %swap3A_471 : vector<1x16xf32> to vector<16xf32>
        %swap3A_473 = vector.shape_cast %get3A_469 : vector<16xf32> to vector<1x16xf32>
        tpu.vector_store %arg10[%swap3A, %swap3A_470], %swap3A_473 {add = true, strides = array<i32>} : memref<200x128xf32, #tpu.memory_space<vmem>>, vector<1x16xf32>,
        %get3A_474 = arith.index_cast %scan3A_466 : i32 to index
        %get3A_475 = arith.constant 16 : index
        %get3A_476 = tpu.vector_load %arg7[%get3A_474, %get3A_475] {strides = array<i32>} : memref<200x128xf32, #tpu.memory_space<vmem>>, vector<1x16xf32>,
        %get3A_477 = vector.shape_cast %get3A_476 : vector<1x16xf32> to vector<16xf32>
        %swap3A_478 = arith.index_cast %scan3A_466 : i32 to index
        %swap3A_479 = arith.constant 16 : index
        %swap3A_480 = tpu.vector_load %arg10[%swap3A_478, %swap3A_479] {strides = array<i32>} : memref<200x128xf32, #tpu.memory_space<vmem>>, vector<1x16xf32>,
        %swap3A_481 = vector.shape_cast %swap3A_480 : vector<1x16xf32> to vector<16xf32>
        %swap3A_482 = vector.shape_cast %get3A_477 : vector<16xf32> to vector<1x16xf32>
        tpu.vector_store %arg10[%swap3A_478, %swap3A_479], %swap3A_482 {add = true, strides = array<i32>} : memref<200x128xf32, #tpu.memory_space<vmem>>, vector<1x16xf32>,
        %get3A_483 = arith.index_cast %scan3A_466 : i32 to index
        %get3A_484 = arith.constant 32 : index
        %get3A_485 = tpu.vector_load %arg7[%get3A_483, %get3A_484] {strides = array<i32>} : memref<200x128xf32, #tpu.memory_space<vmem>>, vector<1x16xf32>,
        %get3A_486 = vector.shape_cast %get3A_485 : vector<1x16xf32> to vector<16xf32>
        %swap3A_487 = arith.index_cast %scan3A_466 : i32 to index
        %swap3A_488 = arith.constant 32 : index
        %swap3A_489 = tpu.vector_load %arg10[%swap3A_487, %swap3A_488] {strides = array<i32>} : memref<200x128xf32, #tpu.memory_space<vmem>>, vector<1x16xf32>,
        %swap3A_490 = vector.shape_cast %swap3A_489 : vector<1x16xf32> to vector<16xf32>
        %swap3A_491 = vector.shape_cast %get3A_486 : vector<16xf32> to vector<1x16xf32>
        tpu.vector_store %arg10[%swap3A_487, %swap3A_488], %swap3A_491 {add = true, strides = array<i32>} : memref<200x128xf32, #tpu.memory_space<vmem>>, vector<1x16xf32>,
        %get3A_492 = arith.index_cast %scan3A_466 : i32 to index
        %get3A_493 = arith.constant 48 : index
        %get3A_494 = tpu.vector_load %arg7[%get3A_492, %get3A_493] {strides = array<i32>} : memref<200x128xf32, #tpu.memory_space<vmem>>, vector<1x16xf32>,
        %get3A_495 = vector.shape_cast %get3A_494 : vector<1x16xf32> to vector<16xf32>
        %swap3A_496 = arith.index_cast %scan3A_466 : i32 to index
        %swap3A_497 = arith.constant 48 : index
        %swap3A_498 = tpu.vector_load %arg10[%swap3A_496, %swap3A_497] {strides = array<i32>} : memref<200x128xf32, #tpu.memory_space<vmem>>, vector<1x16xf32>,
        %swap3A_499 = vector.shape_cast %swap3A_498 : vector<1x16xf32> to vector<16xf32>
        %swap3A_500 = vector.shape_cast %get3A_495 : vector<16xf32> to vector<1x16xf32>
        tpu.vector_store %arg10[%swap3A_496, %swap3A_497], %swap3A_500 {add = true, strides = array<i32>} : memref<200x128xf32, #tpu.memory_space<vmem>>, vector<1x16xf32>,
        %get3A_501 = arith.index_cast %scan3A_466 : i32 to index
        %get3A_502 = arith.constant 64 : index
        %get3A_503 = tpu.vector_load %arg7[%get3A_501, %get3A_502] {strides = array<i32>} : memref<200x128xf32, #tpu.memory_space<vmem>>, vector<1x16xf32>,
        %get3A_504 = vector.shape_cast %get3A_503 : vector<1x16xf32> to vector<16xf32>
        %swap3A_505 = arith.index_cast %scan3A_466 : i32 to index
        %swap3A_506 = arith.constant 64 : index
        %swap3A_507 = tpu.vector_load %arg10[%swap3A_505, %swap3A_506] {strides = array<i32>} : memref<200x128xf32, #tpu.memory_space<vmem>>, vector<1x16xf32>,
        %swap3A_508 = vector.shape_cast %swap3A_507 : vector<1x16xf32> to vector<16xf32>
        %swap3A_509 = vector.shape_cast %get3A_504 : vector<16xf32> to vector<1x16xf32>
        tpu.vector_store %arg10[%swap3A_505, %swap3A_506], %swap3A_509 {add = true, strides = array<i32>} : memref<200x128xf32, #tpu.memory_space<vmem>>, vector<1x16xf32>,
        %get3A_510 = arith.index_cast %scan3A_466 : i32 to index
        %get3A_511 = arith.constant 80 : index
        %get3A_512 = tpu.vector_load %arg7[%get3A_510, %get3A_511] {strides = array<i32>} : memref<200x128xf32, #tpu.memory_space<vmem>>, vector<1x16xf32>,
        %get3A_513 = vector.shape_cast %get3A_512 : vector<1x16xf32> to vector<16xf32>
        %swap3A_514 = arith.index_cast %scan3A_466 : i32 to index
        %swap3A_515 = arith.constant 80 : index
        %swap3A_516 = tpu.vector_load %arg10[%swap3A_514, %swap3A_515] {strides = array<i32>} : memref<200x128xf32, #tpu.memory_space<vmem>>, vector<1x16xf32>,
        %swap3A_517 = vector.shape_cast %swap3A_516 : vector<1x16xf32> to vector<16xf32>
        %swap3A_518 = vector.shape_cast %get3A_513 : vector<16xf32> to vector<1x16xf32>
        tpu.vector_store %arg10[%swap3A_514, %swap3A_515], %swap3A_518 {add = true, strides = array<i32>} : memref<200x128xf32, #tpu.memory_space<vmem>>, vector<1x16xf32>,
        %get3A_519 = arith.index_cast %scan3A_466 : i32 to index
        %get3A_520 = arith.constant 96 : index
        %get3A_521 = tpu.vector_load %arg7[%get3A_519, %get3A_520] {strides = array<i32>} : memref<200x128xf32, #tpu.memory_space<vmem>>, vector<1x16xf32>,
        %get3A_522 = vector.shape_cast %get3A_521 : vector<1x16xf32> to vector<16xf32>
        %swap3A_523 = arith.index_cast %scan3A_466 : i32 to index
        %swap3A_524 = arith.constant 96 : index
        %swap3A_525 = tpu.vector_load %arg10[%swap3A_523, %swap3A_524] {strides = array<i32>} : memref<200x128xf32, #tpu.memory_space<vmem>>, vector<1x16xf32>,
        %swap3A_526 = vector.shape_cast %swap3A_525 : vector<1x16xf32> to vector<16xf32>
        %swap3A_527 = vector.shape_cast %get3A_522 : vector<16xf32> to vector<1x16xf32>
        tpu.vector_store %arg10[%swap3A_523, %swap3A_524], %swap3A_527 {add = true, strides = array<i32>} : memref<200x128xf32, #tpu.memory_space<vmem>>, vector<1x16xf32>,
        %get3A_528 = arith.index_cast %scan3A_466 : i32 to index
        %get3A_529 = arith.constant 112 : index
        %get3A_530 = tpu.vector_load %arg7[%get3A_528, %get3A_529] {strides = array<i32>} : memref<200x128xf32, #tpu.memory_space<vmem>>, vector<1x16xf32>,
        %get3A_531 = vector.shape_cast %get3A_530 : vector<1x16xf32> to vector<16xf32>
        %swap3A_532 = arith.index_cast %scan3A_466 : i32 to index
        %swap3A_533 = arith.constant 112 : index
        %swap3A_534 = tpu.vector_load %arg10[%swap3A_532, %swap3A_533] {strides = array<i32>} : memref<200x128xf32, #tpu.memory_space<vmem>>, vector<1x16xf32>,
        %swap3A_535 = vector.shape_cast %swap3A_534 : vector<1x16xf32> to vector<16xf32>
        %swap3A_536 = vector.shape_cast %get3A_531 : vector<16xf32> to vector<1x16xf32>
        tpu.vector_store %arg10[%swap3A_532, %swap3A_533], %swap3A_536 {add = true, strides = array<i32>} : memref<200x128xf32, #tpu.memory_space<vmem>>, vector<1x16xf32>,
      }
      %scan3A_288 = arith.constant 200 : i32
      %mul3A_289 = arith.constant 200 : i32
      %mul3A_290 = arith.muli %add3A_262, %mul3A_289 : i32
      %add3A_291 = arith.addi %mul3A_2, %mul3A_290 : i32
      %dma_start3A_292 = arith.constant 0 : i32
      %dma_start3A_293 = tpu.memref_slice %arg5[%add3A_291, %dma_start3A_292] : memref<204800x128xf32, #tpu.memory_space<hbm>> -> memref<200x128xf32, #tpu.memory_space<hbm>>
      %dma_start3A_294 = arith.constant 0 : i32
      %dma_start3A_295 = tpu.memref_slice %arg5[%add3A_291, %dma_start3A_294] : memref<204800x128xf32, #tpu.memory_space<hbm>> -> memref<200x128xf32, #tpu.memory_space<hbm>>
      tpu.enqueue_dma source(%arg10 : memref<200x128xf32, #tpu.memory_space<vmem>>) target(%dma_start3A_295 : memref<200x128xf32, #tpu.memory_space<hbm>>) target_semaphore(%arg16 : memref<!tpu.dma_semaphore, #tpu.memory_space<semaphore_mem>>)
      %sub3A = arith.constant 1 : i32
      %sub3A_296 = arith.subi %add3A_262, %sub3A : i32
      %mul3A_297 = arith.constant 200 : i32
      %mul3A_298 = arith.muli %sub3A_296, %mul3A_297 : i32
      %add3A_299 = arith.addi %mul3A_2, %mul3A_298 : i32
      %dma_wait3A_300 = arith.constant 0 : i32
      %dma_wait3A_301 = tpu.memref_slice %arg5[%add3A_299, %dma_wait3A_300] : memref<204800x128xf32, #tpu.memory_space<hbm>> -> memref<200x128xf32, #tpu.memory_space<hbm>>
      %dma_wait3A_302 = arith.constant 0 : i32
      %dma_wait3A_303 = tpu.memref_slice %arg5[%add3A_299, %dma_wait3A_302] : memref<204800x128xf32, #tpu.memory_space<hbm>> -> memref<200x128xf32, #tpu.memory_space<hbm>>
      tpu.wait_dma2 semaphore(%arg15 : memref<!tpu.dma_semaphore, #tpu.memory_space<semaphore_mem>>) src(%arg9 : memref<200x128xf32, #tpu.memory_space<vmem>>) dst(%dma_wait3A_303 : memref<200x128xf32, #tpu.memory_space<hbm>>)
      %add3A_304 = arith.constant 2 : i32
      %add3A_305 = arith.addi %add3A_262, %add3A_304 : i32
      %mul3A_306 = arith.constant 200 : i32
      %mul3A_307 = arith.muli %add3A_305, %mul3A_306 : i32
      %dma_start3A_308 = arith.constant 0 : i32
      %dma_start3A_309 = arith.constant 0 : i32
      %dma_start3A_310 = tpu.memref_slice %arg9[%dma_start3A_308, %dma_start3A_309] : memref<200x128xf32, #tpu.memory_space<vmem>> -> memref<128x128xf32, #tpu.memory_space<vmem>>
      %dma_start3A_311 = tpu.memref_slice %arg6[%mul3A_307] : memref<6400xi32, #tpu.memory_space<vmem>> -> memref<128xi32, #tpu.memory_space<vmem>>
      %dma_start3A_312 = arith.constant 0 : i32
      %dma_start3A_313 = arith.constant 0 : i32
      %dma_start3A_314 = tpu.memref_slice %arg2[%dma_start3A_312, %dma_start3A_313] : memref<100000x128xf32, #tpu.memory_space<hbm>> -> memref<100000x128xf32, #tpu.memory_space<hbm>>
      tpu.enqueue_indirect_dma source(%dma_start3A_314 : memref<100000x128xf32, #tpu.memory_space<hbm>>) target(%dma_start3A_310 : memref<128x128xf32, #tpu.memory_space<vmem>>) offsets(%dma_start3A_311 : memref<128xi32, #tpu.memory_space<vmem>>) semaphore(%arg12 : memref<!tpu.dma_semaphore, #tpu.memory_space<semaphore_mem>>)
      %mul3A_315 = arith.constant 200 : i32
      %mul3A_316 = arith.muli %add3A_305, %mul3A_315 : i32
      %add3A_317 = arith.constant 128 : i32
      %add3A_318 = arith.addi %mul3A_316, %add3A_317 : i32
      %dma_start3A_319 = arith.constant 128 : i32
      %dma_start3A_320 = arith.constant 0 : i32
      %dma_start3A_321 = tpu.memref_slice %arg9[%dma_start3A_319, %dma_start3A_320] : memref<200x128xf32, #tpu.memory_space<vmem>> -> memref<72x128xf32, #tpu.memory_space<vmem>>
      %dma_start3A_322 = tpu.memref_slice %arg6[%add3A_318] : memref<6400xi32, #tpu.memory_space<vmem>> -> memref<72xi32, #tpu.memory_space<vmem>>
      %dma_start3A_323 = arith.constant 0 : i32
      %dma_start3A_324 = arith.constant 0 : i32
      %dma_start3A_325 = tpu.memref_slice %arg2[%dma_start3A_323, %dma_start3A_324] : memref<100000x128xf32, #tpu.memory_space<hbm>> -> memref<100000x128xf32, #tpu.memory_space<hbm>>
      tpu.enqueue_indirect_dma source(%dma_start3A_325 : memref<100000x128xf32, #tpu.memory_space<hbm>>) target(%dma_start3A_321 : memref<72x128xf32, #tpu.memory_space<vmem>>) offsets(%dma_start3A_322 : memref<72xi32, #tpu.memory_space<vmem>>) semaphore(%arg12 : memref<!tpu.dma_semaphore, #tpu.memory_space<semaphore_mem>>)
      %mul3A_326 = arith.constant 3 : i32
      %mul3A_327 = arith.muli %scan3A_256, %mul3A_326 : i32
      %add3A_328 = arith.constant 2 : i32
      %add3A_329 = arith.addi %add3A_328, %mul3A_327 : i32
      %add3A_330 = arith.constant 1 : i32
      %add3A_331 = arith.addi %add3A_329, %add3A_330 : i32
      %mul3A_332 = arith.constant 200 : i32
      %mul3A_333 = arith.muli %add3A_331, %mul3A_332 : i32
      %dma_wait3A_334 = arith.constant 0 : i32
      %dma_wait3A_335 = arith.constant 0 : i32
      %dma_wait3A_336 = tpu.memref_slice %arg8[%dma_wait3A_334, %dma_wait3A_335] : memref<200x128xf32, #tpu.memory_space<vmem>> -> memref<128x128xf32, #tpu.memory_space<vmem>>
      %dma_wait3A_337 = tpu.memref_slice %arg6[%mul3A_333] : memref<6400xi32, #tpu.memory_space<vmem>> -> memref<128xi32, #tpu.memory_space<vmem>>
      %dma_wait3A_338 = arith.constant 0 : i32
      %dma_wait3A_339 = arith.constant 0 : i32
      %dma_wait3A_340 = tpu.memref_slice %arg2[%dma_wait3A_338, %dma_wait3A_339] : memref<100000x128xf32, #tpu.memory_space<hbm>> -> memref<100000x128xf32, #tpu.memory_space<hbm>>
      tpu.wait_indirect_dma semaphore(%arg11 : memref<!tpu.dma_semaphore, #tpu.memory_space<semaphore_mem>>) src(%dma_wait3A_340 : memref<100000x128xf32, #tpu.memory_space<hbm>>) dst(%dma_wait3A_336 : memref<128x128xf32, #tpu.memory_space<vmem>>)
      %mul3A_341 = arith.constant 200 : i32
      %mul3A_342 = arith.muli %add3A_331, %mul3A_341 : i32
      %add3A_343 = arith.constant 128 : i32
      %add3A_344 = arith.addi %mul3A_342, %add3A_343 : i32
      %dma_wait3A_345 = arith.constant 128 : i32
      %dma_wait3A_346 = arith.constant 0 : i32
      %dma_wait3A_347 = tpu.memref_slice %arg8[%dma_wait3A_345, %dma_wait3A_346] : memref<200x128xf32, #tpu.memory_space<vmem>> -> memref<72x128xf32, #tpu.memory_space<vmem>>
      %dma_wait3A_348 = tpu.memref_slice %arg6[%add3A_344] : memref<6400xi32, #tpu.memory_space<vmem>> -> memref<72xi32, #tpu.memory_space<vmem>>
      %dma_wait3A_349 = arith.constant 0 : i32
      %dma_wait3A_350 = arith.constant 0 : i32
      %dma_wait3A_351 = tpu.memref_slice %arg2[%dma_wait3A_349, %dma_wait3A_350] : memref<100000x128xf32, #tpu.memory_space<hbm>> -> memref<100000x128xf32, #tpu.memory_space<hbm>>
      tpu.wait_indirect_dma semaphore(%arg11 : memref<!tpu.dma_semaphore, #tpu.memory_space<semaphore_mem>>) src(%dma_wait3A_351 : memref<100000x128xf32, #tpu.memory_space<hbm>>) dst(%dma_wait3A_347 : memref<72x128xf32, #tpu.memory_space<vmem>>)
      %scan3A_352 = arith.constant 0 : i32
      %scan3A_353 = arith.constant 0 : i32
      %scan3A_354 = arith.constant 200 : i32
      %scan3A_355 = arith.addi %scan3A_353, %scan3A_354 : i32
      %scan3A_356 = arith.constant 1 : i32
      scf.for %scan3A_466 = %scan3A_353 to %scan3A_355 step %scan3A_356  : i32 {
        %get3A = arith.index_cast %scan3A_466 : i32 to index
        %get3A_467 = arith.constant 0 : index
        %get3A_468 = tpu.vector_load %arg7[%get3A, %get3A_467] {strides = array<i32>} : memref<200x128xf32, #tpu.memory_space<vmem>>, vector<1x16xf32>,
        %get3A_469 = vector.shape_cast %get3A_468 : vector<1x16xf32> to vector<16xf32>
        %swap3A = arith.index_cast %scan3A_466 : i32 to index
        %swap3A_470 = arith.constant 0 : index
        %swap3A_471 = tpu.vector_load %arg8[%swap3A, %swap3A_470] {strides = array<i32>} : memref<200x128xf32, #tpu.memory_space<vmem>>, vector<1x16xf32>,
        %swap3A_472 = vector.shape_cast %swap3A_471 : vector<1x16xf32> to vector<16xf32>
        %swap3A_473 = vector.shape_cast %get3A_469 : vector<16xf32> to vector<1x16xf32>
        tpu.vector_store %arg8[%swap3A, %swap3A_470], %swap3A_473 {add = true, strides = array<i32>} : memref<200x128xf32, #tpu.memory_space<vmem>>, vector<1x16xf32>,
        %get3A_474 = arith.index_cast %scan3A_466 : i32 to index
        %get3A_475 = arith.constant 16 : index
        %get3A_476 = tpu.vector_load %arg7[%get3A_474, %get3A_475] {strides = array<i32>} : memref<200x128xf32, #tpu.memory_space<vmem>>, vector<1x16xf32>,
        %get3A_477 = vector.shape_cast %get3A_476 : vector<1x16xf32> to vector<16xf32>
        %swap3A_478 = arith.index_cast %scan3A_466 : i32 to index
        %swap3A_479 = arith.constant 16 : index
        %swap3A_480 = tpu.vector_load %arg8[%swap3A_478, %swap3A_479] {strides = array<i32>} : memref<200x128xf32, #tpu.memory_space<vmem>>, vector<1x16xf32>,
        %swap3A_481 = vector.shape_cast %swap3A_480 : vector<1x16xf32> to vector<16xf32>
        %swap3A_482 = vector.shape_cast %get3A_477 : vector<16xf32> to vector<1x16xf32>
        tpu.vector_store %arg8[%swap3A_478, %swap3A_479], %swap3A_482 {add = true, strides = array<i32>} : memref<200x128xf32, #tpu.memory_space<vmem>>, vector<1x16xf32>,
        %get3A_483 = arith.index_cast %scan3A_466 : i32 to index
        %get3A_484 = arith.constant 32 : index
        %get3A_485 = tpu.vector_load %arg7[%get3A_483, %get3A_484] {strides = array<i32>} : memref<200x128xf32, #tpu.memory_space<vmem>>, vector<1x16xf32>,
        %get3A_486 = vector.shape_cast %get3A_485 : vector<1x16xf32> to vector<16xf32>
        %swap3A_487 = arith.index_cast %scan3A_466 : i32 to index
        %swap3A_488 = arith.constant 32 : index
        %swap3A_489 = tpu.vector_load %arg8[%swap3A_487, %swap3A_488] {strides = array<i32>} : memref<200x128xf32, #tpu.memory_space<vmem>>, vector<1x16xf32>,
        %swap3A_490 = vector.shape_cast %swap3A_489 : vector<1x16xf32> to vector<16xf32>
        %swap3A_491 = vector.shape_cast %get3A_486 : vector<16xf32> to vector<1x16xf32>
        tpu.vector_store %arg8[%swap3A_487, %swap3A_488], %swap3A_491 {add = true, strides = array<i32>} : memref<200x128xf32, #tpu.memory_space<vmem>>, vector<1x16xf32>,
        %get3A_492 = arith.index_cast %scan3A_466 : i32 to index
        %get3A_493 = arith.constant 48 : index
        %get3A_494 = tpu.vector_load %arg7[%get3A_492, %get3A_493] {strides = array<i32>} : memref<200x128xf32, #tpu.memory_space<vmem>>, vector<1x16xf32>,
        %get3A_495 = vector.shape_cast %get3A_494 : vector<1x16xf32> to vector<16xf32>
        %swap3A_496 = arith.index_cast %scan3A_466 : i32 to index
        %swap3A_497 = arith.constant 48 : index
        %swap3A_498 = tpu.vector_load %arg8[%swap3A_496, %swap3A_497] {strides = array<i32>} : memref<200x128xf32, #tpu.memory_space<vmem>>, vector<1x16xf32>,
        %swap3A_499 = vector.shape_cast %swap3A_498 : vector<1x16xf32> to vector<16xf32>
        %swap3A_500 = vector.shape_cast %get3A_495 : vector<16xf32> to vector<1x16xf32>
        tpu.vector_store %arg8[%swap3A_496, %swap3A_497], %swap3A_500 {add = true, strides = array<i32>} : memref<200x128xf32, #tpu.memory_space<vmem>>, vector<1x16xf32>,
        %get3A_501 = arith.index_cast %scan3A_466 : i32 to index
        %get3A_502 = arith.constant 64 : index
        %get3A_503 = tpu.vector_load %arg7[%get3A_501, %get3A_502] {strides = array<i32>} : memref<200x128xf32, #tpu.memory_space<vmem>>, vector<1x16xf32>,
        %get3A_504 = vector.shape_cast %get3A_503 : vector<1x16xf32> to vector<16xf32>
        %swap3A_505 = arith.index_cast %scan3A_466 : i32 to index
        %swap3A_506 = arith.constant 64 : index
        %swap3A_507 = tpu.vector_load %arg8[%swap3A_505, %swap3A_506] {strides = array<i32>} : memref<200x128xf32, #tpu.memory_space<vmem>>, vector<1x16xf32>,
        %swap3A_508 = vector.shape_cast %swap3A_507 : vector<1x16xf32> to vector<16xf32>
        %swap3A_509 = vector.shape_cast %get3A_504 : vector<16xf32> to vector<1x16xf32>
        tpu.vector_store %arg8[%swap3A_505, %swap3A_506], %swap3A_509 {add = true, strides = array<i32>} : memref<200x128xf32, #tpu.memory_space<vmem>>, vector<1x16xf32>,
        %get3A_510 = arith.index_cast %scan3A_466 : i32 to index
        %get3A_511 = arith.constant 80 : index
        %get3A_512 = tpu.vector_load %arg7[%get3A_510, %get3A_511] {strides = array<i32>} : memref<200x128xf32, #tpu.memory_space<vmem>>, vector<1x16xf32>,
        %get3A_513 = vector.shape_cast %get3A_512 : vector<1x16xf32> to vector<16xf32>
        %swap3A_514 = arith.index_cast %scan3A_466 : i32 to index
        %swap3A_515 = arith.constant 80 : index
        %swap3A_516 = tpu.vector_load %arg8[%swap3A_514, %swap3A_515] {strides = array<i32>} : memref<200x128xf32, #tpu.memory_space<vmem>>, vector<1x16xf32>,
        %swap3A_517 = vector.shape_cast %swap3A_516 : vector<1x16xf32> to vector<16xf32>
        %swap3A_518 = vector.shape_cast %get3A_513 : vector<16xf32> to vector<1x16xf32>
        tpu.vector_store %arg8[%swap3A_514, %swap3A_515], %swap3A_518 {add = true, strides = array<i32>} : memref<200x128xf32, #tpu.memory_space<vmem>>, vector<1x16xf32>,
        %get3A_519 = arith.index_cast %scan3A_466 : i32 to index
        %get3A_520 = arith.constant 96 : index
        %get3A_521 = tpu.vector_load %arg7[%get3A_519, %get3A_520] {strides = array<i32>} : memref<200x128xf32, #tpu.memory_space<vmem>>, vector<1x16xf32>,
        %get3A_522 = vector.shape_cast %get3A_521 : vector<1x16xf32> to vector<16xf32>
        %swap3A_523 = arith.index_cast %scan3A_466 : i32 to index
        %swap3A_524 = arith.constant 96 : index
        %swap3A_525 = tpu.vector_load %arg8[%swap3A_523, %swap3A_524] {strides = array<i32>} : memref<200x128xf32, #tpu.memory_space<vmem>>, vector<1x16xf32>,
        %swap3A_526 = vector.shape_cast %swap3A_525 : vector<1x16xf32> to vector<16xf32>
        %swap3A_527 = vector.shape_cast %get3A_522 : vector<16xf32> to vector<1x16xf32>
        tpu.vector_store %arg8[%swap3A_523, %swap3A_524], %swap3A_527 {add = true, strides = array<i32>} : memref<200x128xf32, #tpu.memory_space<vmem>>, vector<1x16xf32>,
        %get3A_528 = arith.index_cast %scan3A_466 : i32 to index
        %get3A_529 = arith.constant 112 : index
        %get3A_530 = tpu.vector_load %arg7[%get3A_528, %get3A_529] {strides = array<i32>} : memref<200x128xf32, #tpu.memory_space<vmem>>, vector<1x16xf32>,
        %get3A_531 = vector.shape_cast %get3A_530 : vector<1x16xf32> to vector<16xf32>
        %swap3A_532 = arith.index_cast %scan3A_466 : i32 to index
        %swap3A_533 = arith.constant 112 : index
        %swap3A_534 = tpu.vector_load %arg8[%swap3A_532, %swap3A_533] {strides = array<i32>} : memref<200x128xf32, #tpu.memory_space<vmem>>, vector<1x16xf32>,
        %swap3A_535 = vector.shape_cast %swap3A_534 : vector<1x16xf32> to vector<16xf32>
        %swap3A_536 = vector.shape_cast %get3A_531 : vector<16xf32> to vector<1x16xf32>
        tpu.vector_store %arg8[%swap3A_532, %swap3A_533], %swap3A_536 {add = true, strides = array<i32>} : memref<200x128xf32, #tpu.memory_space<vmem>>, vector<1x16xf32>,
      }
      %scan3A_357 = arith.constant 200 : i32
      %mul3A_358 = arith.constant 200 : i32
      %mul3A_359 = arith.muli %add3A_331, %mul3A_358 : i32
      %add3A_360 = arith.addi %mul3A_2, %mul3A_359 : i32
      %dma_start3A_361 = arith.constant 0 : i32
      %dma_start3A_362 = tpu.memref_slice %arg5[%add3A_360, %dma_start3A_361] : memref<204800x128xf32, #tpu.memory_space<hbm>> -> memref<200x128xf32, #tpu.memory_space<hbm>>
      %dma_start3A_363 = arith.constant 0 : i32
      %dma_start3A_364 = tpu.memref_slice %arg5[%add3A_360, %dma_start3A_363] : memref<204800x128xf32, #tpu.memory_space<hbm>> -> memref<200x128xf32, #tpu.memory_space<hbm>>
      tpu.enqueue_dma source(%arg8 : memref<200x128xf32, #tpu.memory_space<vmem>>) target(%dma_start3A_364 : memref<200x128xf32, #tpu.memory_space<hbm>>) target_semaphore(%arg14 : memref<!tpu.dma_semaphore, #tpu.memory_space<semaphore_mem>>)
      %sub3A_365 = arith.constant 1 : i32
      %sub3A_366 = arith.subi %add3A_331, %sub3A_365 : i32
      %mul3A_367 = arith.constant 200 : i32
      %mul3A_368 = arith.muli %sub3A_366, %mul3A_367 : i32
      %add3A_369 = arith.addi %mul3A_2, %mul3A_368 : i32
      %dma_wait3A_370 = arith.constant 0 : i32
      %dma_wait3A_371 = tpu.memref_slice %arg5[%add3A_369, %dma_wait3A_370] : memref<204800x128xf32, #tpu.memory_space<hbm>> -> memref<200x128xf32, #tpu.memory_space<hbm>>
      %dma_wait3A_372 = arith.constant 0 : i32
      %dma_wait3A_373 = tpu.memref_slice %arg5[%add3A_369, %dma_wait3A_372] : memref<204800x128xf32, #tpu.memory_space<hbm>> -> memref<200x128xf32, #tpu.memory_space<hbm>>
      tpu.wait_dma2 semaphore(%arg16 : memref<!tpu.dma_semaphore, #tpu.memory_space<semaphore_mem>>) src(%arg10 : memref<200x128xf32, #tpu.memory_space<vmem>>) dst(%dma_wait3A_373 : memref<200x128xf32, #tpu.memory_space<hbm>>)
      %add3A_374 = arith.constant 2 : i32
      %add3A_375 = arith.addi %add3A_331, %add3A_374 : i32
      %mul3A_376 = arith.constant 200 : i32
      %mul3A_377 = arith.muli %add3A_375, %mul3A_376 : i32
      %dma_start3A_378 = arith.constant 0 : i32
      %dma_start3A_379 = arith.constant 0 : i32
      %dma_start3A_380 = tpu.memref_slice %arg10[%dma_start3A_378, %dma_start3A_379] : memref<200x128xf32, #tpu.memory_space<vmem>> -> memref<128x128xf32, #tpu.memory_space<vmem>>
      %dma_start3A_381 = tpu.memref_slice %arg6[%mul3A_377] : memref<6400xi32, #tpu.memory_space<vmem>> -> memref<128xi32, #tpu.memory_space<vmem>>
      %dma_start3A_382 = arith.constant 0 : i32
      %dma_start3A_383 = arith.constant 0 : i32
      %dma_start3A_384 = tpu.memref_slice %arg2[%dma_start3A_382, %dma_start3A_383] : memref<100000x128xf32, #tpu.memory_space<hbm>> -> memref<100000x128xf32, #tpu.memory_space<hbm>>
      tpu.enqueue_indirect_dma source(%dma_start3A_384 : memref<100000x128xf32, #tpu.memory_space<hbm>>) target(%dma_start3A_380 : memref<128x128xf32, #tpu.memory_space<vmem>>) offsets(%dma_start3A_381 : memref<128xi32, #tpu.memory_space<vmem>>) semaphore(%arg13 : memref<!tpu.dma_semaphore, #tpu.memory_space<semaphore_mem>>)
      %mul3A_385 = arith.constant 200 : i32
      %mul3A_386 = arith.muli %add3A_375, %mul3A_385 : i32
      %add3A_387 = arith.constant 128 : i32
      %add3A_388 = arith.addi %mul3A_386, %add3A_387 : i32
      %dma_start3A_389 = arith.constant 128 : i32
      %dma_start3A_390 = arith.constant 0 : i32
      %dma_start3A_391 = tpu.memref_slice %arg10[%dma_start3A_389, %dma_start3A_390] : memref<200x128xf32, #tpu.memory_space<vmem>> -> memref<72x128xf32, #tpu.memory_space<vmem>>
      %dma_start3A_392 = tpu.memref_slice %arg6[%add3A_388] : memref<6400xi32, #tpu.memory_space<vmem>> -> memref<72xi32, #tpu.memory_space<vmem>>
      %dma_start3A_393 = arith.constant 0 : i32
      %dma_start3A_394 = arith.constant 0 : i32
      %dma_start3A_395 = tpu.memref_slice %arg2[%dma_start3A_393, %dma_start3A_394] : memref<100000x128xf32, #tpu.memory_space<hbm>> -> memref<100000x128xf32, #tpu.memory_space<hbm>>
      tpu.enqueue_indirect_dma source(%dma_start3A_395 : memref<100000x128xf32, #tpu.memory_space<hbm>>) target(%dma_start3A_391 : memref<72x128xf32, #tpu.memory_space<vmem>>) offsets(%dma_start3A_392 : memref<72xi32, #tpu.memory_space<vmem>>) semaphore(%arg13 : memref<!tpu.dma_semaphore, #tpu.memory_space<semaphore_mem>>)
      %mul3A_396 = arith.constant 3 : i32
      %mul3A_397 = arith.muli %scan3A_256, %mul3A_396 : i32
      %add3A_398 = arith.constant 2 : i32
      %add3A_399 = arith.addi %add3A_398, %mul3A_397 : i32
      %add3A_400 = arith.constant 2 : i32
      %add3A_401 = arith.addi %add3A_399, %add3A_400 : i32
      %mul3A_402 = arith.constant 200 : i32
      %mul3A_403 = arith.muli %add3A_401, %mul3A_402 : i32
      %dma_wait3A_404 = arith.constant 0 : i32
      %dma_wait3A_405 = arith.constant 0 : i32
      %dma_wait3A_406 = tpu.memref_slice %arg9[%dma_wait3A_404, %dma_wait3A_405] : memref<200x128xf32, #tpu.memory_space<vmem>> -> memref<128x128xf32, #tpu.memory_space<vmem>>
      %dma_wait3A_407 = tpu.memref_slice %arg6[%mul3A_403] : memref<6400xi32, #tpu.memory_space<vmem>> -> memref<128xi32, #tpu.memory_space<vmem>>
      %dma_wait3A_408 = arith.constant 0 : i32
      %dma_wait3A_409 = arith.constant 0 : i32
      %dma_wait3A_410 = tpu.memref_slice %arg2[%dma_wait3A_408, %dma_wait3A_409] : memref<100000x128xf32, #tpu.memory_space<hbm>> -> memref<100000x128xf32, #tpu.memory_space<hbm>>
      tpu.wait_indirect_dma semaphore(%arg12 : memref<!tpu.dma_semaphore, #tpu.memory_space<semaphore_mem>>) src(%dma_wait3A_410 : memref<100000x128xf32, #tpu.memory_space<hbm>>) dst(%dma_wait3A_406 : memref<128x128xf32, #tpu.memory_space<vmem>>)
      %mul3A_411 = arith.constant 200 : i32
      %mul3A_412 = arith.muli %add3A_401, %mul3A_411 : i32
      %add3A_413 = arith.constant 128 : i32
      %add3A_414 = arith.addi %mul3A_412, %add3A_413 : i32
      %dma_wait3A_415 = arith.constant 128 : i32
      %dma_wait3A_416 = arith.constant 0 : i32
      %dma_wait3A_417 = tpu.memref_slice %arg9[%dma_wait3A_415, %dma_wait3A_416] : memref<200x128xf32, #tpu.memory_space<vmem>> -> memref<72x128xf32, #tpu.memory_space<vmem>>
      %dma_wait3A_418 = tpu.memref_slice %arg6[%add3A_414] : memref<6400xi32, #tpu.memory_space<vmem>> -> memref<72xi32, #tpu.memory_space<vmem>>
      %dma_wait3A_419 = arith.constant 0 : i32
      %dma_wait3A_420 = arith.constant 0 : i32
      %dma_wait3A_421 = tpu.memref_slice %arg2[%dma_wait3A_419, %dma_wait3A_420] : memref<100000x128xf32, #tpu.memory_space<hbm>> -> memref<100000x128xf32, #tpu.memory_space<hbm>>
      tpu.wait_indirect_dma semaphore(%arg12 : memref<!tpu.dma_semaphore, #tpu.memory_space<semaphore_mem>>) src(%dma_wait3A_421 : memref<100000x128xf32, #tpu.memory_space<hbm>>) dst(%dma_wait3A_417 : memref<72x128xf32, #tpu.memory_space<vmem>>)
      %scan3A_422 = arith.constant 0 : i32
      %scan3A_423 = arith.constant 0 : i32
      %scan3A_424 = arith.constant 200 : i32
      %scan3A_425 = arith.addi %scan3A_423, %scan3A_424 : i32
      %scan3A_426 = arith.constant 1 : i32
      scf.for %scan3A_466 = %scan3A_423 to %scan3A_425 step %scan3A_426  : i32 {
        %get3A = arith.index_cast %scan3A_466 : i32 to index
        %get3A_467 = arith.constant 0 : index
        %get3A_468 = tpu.vector_load %arg7[%get3A, %get3A_467] {strides = array<i32>} : memref<200x128xf32, #tpu.memory_space<vmem>>, vector<1x16xf32>,
        %get3A_469 = vector.shape_cast %get3A_468 : vector<1x16xf32> to vector<16xf32>
        %swap3A = arith.index_cast %scan3A_466 : i32 to index
        %swap3A_470 = arith.constant 0 : index
        %swap3A_471 = tpu.vector_load %arg9[%swap3A, %swap3A_470] {strides = array<i32>} : memref<200x128xf32, #tpu.memory_space<vmem>>, vector<1x16xf32>,
        %swap3A_472 = vector.shape_cast %swap3A_471 : vector<1x16xf32> to vector<16xf32>
        %swap3A_473 = vector.shape_cast %get3A_469 : vector<16xf32> to vector<1x16xf32>
        tpu.vector_store %arg9[%swap3A, %swap3A_470], %swap3A_473 {add = true, strides = array<i32>} : memref<200x128xf32, #tpu.memory_space<vmem>>, vector<1x16xf32>,
        %get3A_474 = arith.index_cast %scan3A_466 : i32 to index
        %get3A_475 = arith.constant 16 : index
        %get3A_476 = tpu.vector_load %arg7[%get3A_474, %get3A_475] {strides = array<i32>} : memref<200x128xf32, #tpu.memory_space<vmem>>, vector<1x16xf32>,
        %get3A_477 = vector.shape_cast %get3A_476 : vector<1x16xf32> to vector<16xf32>
        %swap3A_478 = arith.index_cast %scan3A_466 : i32 to index
        %swap3A_479 = arith.constant 16 : index
        %swap3A_480 = tpu.vector_load %arg9[%swap3A_478, %swap3A_479] {strides = array<i32>} : memref<200x128xf32, #tpu.memory_space<vmem>>, vector<1x16xf32>,
        %swap3A_481 = vector.shape_cast %swap3A_480 : vector<1x16xf32> to vector<16xf32>
        %swap3A_482 = vector.shape_cast %get3A_477 : vector<16xf32> to vector<1x16xf32>
        tpu.vector_store %arg9[%swap3A_478, %swap3A_479], %swap3A_482 {add = true, strides = array<i32>} : memref<200x128xf32, #tpu.memory_space<vmem>>, vector<1x16xf32>,
        %get3A_483 = arith.index_cast %scan3A_466 : i32 to index
        %get3A_484 = arith.constant 32 : index
        %get3A_485 = tpu.vector_load %arg7[%get3A_483, %get3A_484] {strides = array<i32>} : memref<200x128xf32, #tpu.memory_space<vmem>>, vector<1x16xf32>,
        %get3A_486 = vector.shape_cast %get3A_485 : vector<1x16xf32> to vector<16xf32>
        %swap3A_487 = arith.index_cast %scan3A_466 : i32 to index
        %swap3A_488 = arith.constant 32 : index
        %swap3A_489 = tpu.vector_load %arg9[%swap3A_487, %swap3A_488] {strides = array<i32>} : memref<200x128xf32, #tpu.memory_space<vmem>>, vector<1x16xf32>,
        %swap3A_490 = vector.shape_cast %swap3A_489 : vector<1x16xf32> to vector<16xf32>
        %swap3A_491 = vector.shape_cast %get3A_486 : vector<16xf32> to vector<1x16xf32>
        tpu.vector_store %arg9[%swap3A_487, %swap3A_488], %swap3A_491 {add = true, strides = array<i32>} : memref<200x128xf32, #tpu.memory_space<vmem>>, vector<1x16xf32>,
        %get3A_492 = arith.index_cast %scan3A_466 : i32 to index
        %get3A_493 = arith.constant 48 : index
        %get3A_494 = tpu.vector_load %arg7[%get3A_492, %get3A_493] {strides = array<i32>} : memref<200x128xf32, #tpu.memory_space<vmem>>, vector<1x16xf32>,
        %get3A_495 = vector.shape_cast %get3A_494 : vector<1x16xf32> to vector<16xf32>
        %swap3A_496 = arith.index_cast %scan3A_466 : i32 to index
        %swap3A_497 = arith.constant 48 : index
        %swap3A_498 = tpu.vector_load %arg9[%swap3A_496, %swap3A_497] {strides = array<i32>} : memref<200x128xf32, #tpu.memory_space<vmem>>, vector<1x16xf32>,
        %swap3A_499 = vector.shape_cast %swap3A_498 : vector<1x16xf32> to vector<16xf32>
        %swap3A_500 = vector.shape_cast %get3A_495 : vector<16xf32> to vector<1x16xf32>
        tpu.vector_store %arg9[%swap3A_496, %swap3A_497], %swap3A_500 {add = true, strides = array<i32>} : memref<200x128xf32, #tpu.memory_space<vmem>>, vector<1x16xf32>,
        %get3A_501 = arith.index_cast %scan3A_466 : i32 to index
        %get3A_502 = arith.constant 64 : index
        %get3A_503 = tpu.vector_load %arg7[%get3A_501, %get3A_502] {strides = array<i32>} : memref<200x128xf32, #tpu.memory_space<vmem>>, vector<1x16xf32>,
        %get3A_504 = vector.shape_cast %get3A_503 : vector<1x16xf32> to vector<16xf32>
        %swap3A_505 = arith.index_cast %scan3A_466 : i32 to index
        %swap3A_506 = arith.constant 64 : index
        %swap3A_507 = tpu.vector_load %arg9[%swap3A_505, %swap3A_506] {strides = array<i32>} : memref<200x128xf32, #tpu.memory_space<vmem>>, vector<1x16xf32>,
        %swap3A_508 = vector.shape_cast %swap3A_507 : vector<1x16xf32> to vector<16xf32>
        %swap3A_509 = vector.shape_cast %get3A_504 : vector<16xf32> to vector<1x16xf32>
        tpu.vector_store %arg9[%swap3A_505, %swap3A_506], %swap3A_509 {add = true, strides = array<i32>} : memref<200x128xf32, #tpu.memory_space<vmem>>, vector<1x16xf32>,
        %get3A_510 = arith.index_cast %scan3A_466 : i32 to index
        %get3A_511 = arith.constant 80 : index
        %get3A_512 = tpu.vector_load %arg7[%get3A_510, %get3A_511] {strides = array<i32>} : memref<200x128xf32, #tpu.memory_space<vmem>>, vector<1x16xf32>,
        %get3A_513 = vector.shape_cast %get3A_512 : vector<1x16xf32> to vector<16xf32>
        %swap3A_514 = arith.index_cast %scan3A_466 : i32 to index
        %swap3A_515 = arith.constant 80 : index
        %swap3A_516 = tpu.vector_load %arg9[%swap3A_514, %swap3A_515] {strides = array<i32>} : memref<200x128xf32, #tpu.memory_space<vmem>>, vector<1x16xf32>,
        %swap3A_517 = vector.shape_cast %swap3A_516 : vector<1x16xf32> to vector<16xf32>
        %swap3A_518 = vector.shape_cast %get3A_513 : vector<16xf32> to vector<1x16xf32>
        tpu.vector_store %arg9[%swap3A_514, %swap3A_515], %swap3A_518 {add = true, strides = array<i32>} : memref<200x128xf32, #tpu.memory_space<vmem>>, vector<1x16xf32>,
        %get3A_519 = arith.index_cast %scan3A_466 : i32 to index
        %get3A_520 = arith.constant 96 : index
        %get3A_521 = tpu.vector_load %arg7[%get3A_519, %get3A_520] {strides = array<i32>} : memref<200x128xf32, #tpu.memory_space<vmem>>, vector<1x16xf32>,
        %get3A_522 = vector.shape_cast %get3A_521 : vector<1x16xf32> to vector<16xf32>
        %swap3A_523 = arith.index_cast %scan3A_466 : i32 to index
        %swap3A_524 = arith.constant 96 : index
        %swap3A_525 = tpu.vector_load %arg9[%swap3A_523, %swap3A_524] {strides = array<i32>} : memref<200x128xf32, #tpu.memory_space<vmem>>, vector<1x16xf32>,
        %swap3A_526 = vector.shape_cast %swap3A_525 : vector<1x16xf32> to vector<16xf32>
        %swap3A_527 = vector.shape_cast %get3A_522 : vector<16xf32> to vector<1x16xf32>
        tpu.vector_store %arg9[%swap3A_523, %swap3A_524], %swap3A_527 {add = true, strides = array<i32>} : memref<200x128xf32, #tpu.memory_space<vmem>>, vector<1x16xf32>,
        %get3A_528 = arith.index_cast %scan3A_466 : i32 to index
        %get3A_529 = arith.constant 112 : index
        %get3A_530 = tpu.vector_load %arg7[%get3A_528, %get3A_529] {strides = array<i32>} : memref<200x128xf32, #tpu.memory_space<vmem>>, vector<1x16xf32>,
        %get3A_531 = vector.shape_cast %get3A_530 : vector<1x16xf32> to vector<16xf32>
        %swap3A_532 = arith.index_cast %scan3A_466 : i32 to index
        %swap3A_533 = arith.constant 112 : index
        %swap3A_534 = tpu.vector_load %arg9[%swap3A_532, %swap3A_533] {strides = array<i32>} : memref<200x128xf32, #tpu.memory_space<vmem>>, vector<1x16xf32>,
        %swap3A_535 = vector.shape_cast %swap3A_534 : vector<1x16xf32> to vector<16xf32>
        %swap3A_536 = vector.shape_cast %get3A_531 : vector<16xf32> to vector<1x16xf32>
        tpu.vector_store %arg9[%swap3A_532, %swap3A_533], %swap3A_536 {add = true, strides = array<i32>} : memref<200x128xf32, #tpu.memory_space<vmem>>, vector<1x16xf32>,
      }
      %scan3A_427 = arith.constant 200 : i32
      %mul3A_428 = arith.constant 200 : i32
      %mul3A_429 = arith.muli %add3A_401, %mul3A_428 : i32
      %add3A_430 = arith.addi %mul3A_2, %mul3A_429 : i32
      %dma_start3A_431 = arith.constant 0 : i32
      %dma_start3A_432 = tpu.memref_slice %arg5[%add3A_430, %dma_start3A_431] : memref<204800x128xf32, #tpu.memory_space<hbm>> -> memref<200x128xf32, #tpu.memory_space<hbm>>
      %dma_start3A_433 = arith.constant 0 : i32
      %dma_start3A_434 = tpu.memref_slice %arg5[%add3A_430, %dma_start3A_433] : memref<204800x128xf32, #tpu.memory_space<hbm>> -> memref<200x128xf32, #tpu.memory_space<hbm>>
      tpu.enqueue_dma source(%arg9 : memref<200x128xf32, #tpu.memory_space<vmem>>) target(%dma_start3A_434 : memref<200x128xf32, #tpu.memory_space<hbm>>) target_semaphore(%arg15 : memref<!tpu.dma_semaphore, #tpu.memory_space<semaphore_mem>>)
      %sub3A_435 = arith.constant 1 : i32
      %sub3A_436 = arith.subi %add3A_401, %sub3A_435 : i32
      %mul3A_437 = arith.constant 200 : i32
      %mul3A_438 = arith.muli %sub3A_436, %mul3A_437 : i32
      %add3A_439 = arith.addi %mul3A_2, %mul3A_438 : i32
      %dma_wait3A_440 = arith.constant 0 : i32
      %dma_wait3A_441 = tpu.memref_slice %arg5[%add3A_439, %dma_wait3A_440] : memref<204800x128xf32, #tpu.memory_space<hbm>> -> memref<200x128xf32, #tpu.memory_space<hbm>>
      %dma_wait3A_442 = arith.constant 0 : i32
      %dma_wait3A_443 = tpu.memref_slice %arg5[%add3A_439, %dma_wait3A_442] : memref<204800x128xf32, #tpu.memory_space<hbm>> -> memref<200x128xf32, #tpu.memory_space<hbm>>
      tpu.wait_dma2 semaphore(%arg14 : memref<!tpu.dma_semaphore, #tpu.memory_space<semaphore_mem>>) src(%arg8 : memref<200x128xf32, #tpu.memory_space<vmem>>) dst(%dma_wait3A_443 : memref<200x128xf32, #tpu.memory_space<hbm>>)
      %add3A_444 = arith.constant 2 : i32
      %add3A_445 = arith.addi %add3A_401, %add3A_444 : i32
      %mul3A_446 = arith.constant 200 : i32
      %mul3A_447 = arith.muli %add3A_445, %mul3A_446 : i32
      %dma_start3A_448 = arith.constant 0 : i32
      %dma_start3A_449 = arith.constant 0 : i32
      %dma_start3A_450 = tpu.memref_slice %arg8[%dma_start3A_448, %dma_start3A_449] : memref<200x128xf32, #tpu.memory_space<vmem>> -> memref<128x128xf32, #tpu.memory_space<vmem>>
      %dma_start3A_451 = tpu.memref_slice %arg6[%mul3A_447] : memref<6400xi32, #tpu.memory_space<vmem>> -> memref<128xi32, #tpu.memory_space<vmem>>
      %dma_start3A_452 = arith.constant 0 : i32
      %dma_start3A_453 = arith.constant 0 : i32
      %dma_start3A_454 = tpu.memref_slice %arg2[%dma_start3A_452, %dma_start3A_453] : memref<100000x128xf32, #tpu.memory_space<hbm>> -> memref<100000x128xf32, #tpu.memory_space<hbm>>
      tpu.enqueue_indirect_dma source(%dma_start3A_454 : memref<100000x128xf32, #tpu.memory_space<hbm>>) target(%dma_start3A_450 : memref<128x128xf32, #tpu.memory_space<vmem>>) offsets(%dma_start3A_451 : memref<128xi32, #tpu.memory_space<vmem>>) semaphore(%arg11 : memref<!tpu.dma_semaphore, #tpu.memory_space<semaphore_mem>>)
      %mul3A_455 = arith.constant 200 : i32
      %mul3A_456 = arith.muli %add3A_445, %mul3A_455 : i32
      %add3A_457 = arith.constant 128 : i32
      %add3A_458 = arith.addi %mul3A_456, %add3A_457 : i32
      %dma_start3A_459 = arith.constant 128 : i32
      %dma_start3A_460 = arith.constant 0 : i32
      %dma_start3A_461 = tpu.memref_slice %arg8[%dma_start3A_459, %dma_start3A_460] : memref<200x128xf32, #tpu.memory_space<vmem>> -> memref<72x128xf32, #tpu.memory_space<vmem>>
      %dma_start3A_462 = tpu.memref_slice %arg6[%add3A_458] : memref<6400xi32, #tpu.memory_space<vmem>> -> memref<72xi32, #tpu.memory_space<vmem>>
      %dma_start3A_463 = arith.constant 0 : i32
      %dma_start3A_464 = arith.constant 0 : i32
      %dma_start3A_465 = tpu.memref_slice %arg2[%dma_start3A_463, %dma_start3A_464] : memref<100000x128xf32, #tpu.memory_space<hbm>> -> memref<100000x128xf32, #tpu.memory_space<hbm>>
      tpu.enqueue_indirect_dma source(%dma_start3A_465 : memref<100000x128xf32, #tpu.memory_space<hbm>>) target(%dma_start3A_461 : memref<72x128xf32, #tpu.memory_space<vmem>>) offsets(%dma_start3A_462 : memref<72xi32, #tpu.memory_space<vmem>>) semaphore(%arg11 : memref<!tpu.dma_semaphore, #tpu.memory_space<semaphore_mem>>)
    }
    %scan3A_131 = arith.constant 9 : i32
    %dma_wait3A_132 = arith.constant 0 : i32
    %dma_wait3A_133 = arith.constant 0 : i32
    %dma_wait3A_134 = tpu.memref_slice %arg10[%dma_wait3A_132, %dma_wait3A_133] : memref<200x128xf32, #tpu.memory_space<vmem>> -> memref<128x128xf32, #tpu.memory_space<vmem>>
    %dma_wait3A_135 = arith.constant 5800 : i32
    %dma_wait3A_136 = tpu.memref_slice %arg6[%dma_wait3A_135] : memref<6400xi32, #tpu.memory_space<vmem>> -> memref<128xi32, #tpu.memory_space<vmem>>
    %dma_wait3A_137 = arith.constant 0 : i32
    %dma_wait3A_138 = arith.constant 0 : i32
    %dma_wait3A_139 = tpu.memref_slice %arg2[%dma_wait3A_137, %dma_wait3A_138] : memref<100000x128xf32, #tpu.memory_space<hbm>> -> memref<100000x128xf32, #tpu.memory_space<hbm>>
    tpu.wait_indirect_dma semaphore(%arg13 : memref<!tpu.dma_semaphore, #tpu.memory_space<semaphore_mem>>) src(%dma_wait3A_139 : memref<100000x128xf32, #tpu.memory_space<hbm>>) dst(%dma_wait3A_134 : memref<128x128xf32, #tpu.memory_space<vmem>>)
    %dma_wait3A_140 = arith.constant 128 : i32
    %dma_wait3A_141 = arith.constant 0 : i32
    %dma_wait3A_142 = tpu.memref_slice %arg10[%dma_wait3A_140, %dma_wait3A_141] : memref<200x128xf32, #tpu.memory_space<vmem>> -> memref<72x128xf32, #tpu.memory_space<vmem>>
    %dma_wait3A_143 = arith.constant 5928 : i32
    %dma_wait3A_144 = tpu.memref_slice %arg6[%dma_wait3A_143] : memref<6400xi32, #tpu.memory_space<vmem>> -> memref<72xi32, #tpu.memory_space<vmem>>
    %dma_wait3A_145 = arith.constant 0 : i32
    %dma_wait3A_146 = arith.constant 0 : i32
    %dma_wait3A_147 = tpu.memref_slice %arg2[%dma_wait3A_145, %dma_wait3A_146] : memref<100000x128xf32, #tpu.memory_space<hbm>> -> memref<100000x128xf32, #tpu.memory_space<hbm>>
    tpu.wait_indirect_dma semaphore(%arg13 : memref<!tpu.dma_semaphore, #tpu.memory_space<semaphore_mem>>) src(%dma_wait3A_147 : memref<100000x128xf32, #tpu.memory_space<hbm>>) dst(%dma_wait3A_142 : memref<72x128xf32, #tpu.memory_space<vmem>>)
    %scan3A_148 = arith.constant 0 : i32
    %scan3A_149 = arith.constant 0 : i32
    %scan3A_150 = arith.constant 200 : i32
    %scan3A_151 = arith.addi %scan3A_149, %scan3A_150 : i32
    %scan3A_152 = arith.constant 1 : i32
    scf.for %scan3A_256 = %scan3A_149 to %scan3A_151 step %scan3A_152  : i32 {
      %get3A = arith.index_cast %scan3A_256 : i32 to index
      %get3A_257 = arith.constant 0 : index
      %get3A_258 = tpu.vector_load %arg7[%get3A, %get3A_257] {strides = array<i32>} : memref<200x128xf32, #tpu.memory_space<vmem>>, vector<1x16xf32>,
      %get3A_259 = vector.shape_cast %get3A_258 : vector<1x16xf32> to vector<16xf32>
      %swap3A = arith.index_cast %scan3A_256 : i32 to index
      %swap3A_260 = arith.constant 0 : index
      %swap3A_261 = tpu.vector_load %arg10[%swap3A, %swap3A_260] {strides = array<i32>} : memref<200x128xf32, #tpu.memory_space<vmem>>, vector<1x16xf32>,
      %swap3A_262 = vector.shape_cast %swap3A_261 : vector<1x16xf32> to vector<16xf32>
      %swap3A_263 = vector.shape_cast %get3A_259 : vector<16xf32> to vector<1x16xf32>
      tpu.vector_store %arg10[%swap3A, %swap3A_260], %swap3A_263 {add = true, strides = array<i32>} : memref<200x128xf32, #tpu.memory_space<vmem>>, vector<1x16xf32>,
      %get3A_264 = arith.index_cast %scan3A_256 : i32 to index
      %get3A_265 = arith.constant 16 : index
      %get3A_266 = tpu.vector_load %arg7[%get3A_264, %get3A_265] {strides = array<i32>} : memref<200x128xf32, #tpu.memory_space<vmem>>, vector<1x16xf32>,
      %get3A_267 = vector.shape_cast %get3A_266 : vector<1x16xf32> to vector<16xf32>
      %swap3A_268 = arith.index_cast %scan3A_256 : i32 to index
      %swap3A_269 = arith.constant 16 : index
      %swap3A_270 = tpu.vector_load %arg10[%swap3A_268, %swap3A_269] {strides = array<i32>} : memref<200x128xf32, #tpu.memory_space<vmem>>, vector<1x16xf32>,
      %swap3A_271 = vector.shape_cast %swap3A_270 : vector<1x16xf32> to vector<16xf32>
      %swap3A_272 = vector.shape_cast %get3A_267 : vector<16xf32> to vector<1x16xf32>
      tpu.vector_store %arg10[%swap3A_268, %swap3A_269], %swap3A_272 {add = true, strides = array<i32>} : memref<200x128xf32, #tpu.memory_space<vmem>>, vector<1x16xf32>,
      %get3A_273 = arith.index_cast %scan3A_256 : i32 to index
      %get3A_274 = arith.constant 32 : index
      %get3A_275 = tpu.vector_load %arg7[%get3A_273, %get3A_274] {strides = array<i32>} : memref<200x128xf32, #tpu.memory_space<vmem>>, vector<1x16xf32>,
      %get3A_276 = vector.shape_cast %get3A_275 : vector<1x16xf32> to vector<16xf32>
      %swap3A_277 = arith.index_cast %scan3A_256 : i32 to index
      %swap3A_278 = arith.constant 32 : index
      %swap3A_279 = tpu.vector_load %arg10[%swap3A_277, %swap3A_278] {strides = array<i32>} : memref<200x128xf32, #tpu.memory_space<vmem>>, vector<1x16xf32>,
      %swap3A_280 = vector.shape_cast %swap3A_279 : vector<1x16xf32> to vector<16xf32>
      %swap3A_281 = vector.shape_cast %get3A_276 : vector<16xf32> to vector<1x16xf32>
      tpu.vector_store %arg10[%swap3A_277, %swap3A_278], %swap3A_281 {add = true, strides = array<i32>} : memref<200x128xf32, #tpu.memory_space<vmem>>, vector<1x16xf32>,
      %get3A_282 = arith.index_cast %scan3A_256 : i32 to index
      %get3A_283 = arith.constant 48 : index
      %get3A_284 = tpu.vector_load %arg7[%get3A_282, %get3A_283] {strides = array<i32>} : memref<200x128xf32, #tpu.memory_space<vmem>>, vector<1x16xf32>,
      %get3A_285 = vector.shape_cast %get3A_284 : vector<1x16xf32> to vector<16xf32>
      %swap3A_286 = arith.index_cast %scan3A_256 : i32 to index
      %swap3A_287 = arith.constant 48 : index
      %swap3A_288 = tpu.vector_load %arg10[%swap3A_286, %swap3A_287] {strides = array<i32>} : memref<200x128xf32, #tpu.memory_space<vmem>>, vector<1x16xf32>,
      %swap3A_289 = vector.shape_cast %swap3A_288 : vector<1x16xf32> to vector<16xf32>
      %swap3A_290 = vector.shape_cast %get3A_285 : vector<16xf32> to vector<1x16xf32>
      tpu.vector_store %arg10[%swap3A_286, %swap3A_287], %swap3A_290 {add = true, strides = array<i32>} : memref<200x128xf32, #tpu.memory_space<vmem>>, vector<1x16xf32>,
      %get3A_291 = arith.index_cast %scan3A_256 : i32 to index
      %get3A_292 = arith.constant 64 : index
      %get3A_293 = tpu.vector_load %arg7[%get3A_291, %get3A_292] {strides = array<i32>} : memref<200x128xf32, #tpu.memory_space<vmem>>, vector<1x16xf32>,
      %get3A_294 = vector.shape_cast %get3A_293 : vector<1x16xf32> to vector<16xf32>
      %swap3A_295 = arith.index_cast %scan3A_256 : i32 to index
      %swap3A_296 = arith.constant 64 : index
      %swap3A_297 = tpu.vector_load %arg10[%swap3A_295, %swap3A_296] {strides = array<i32>} : memref<200x128xf32, #tpu.memory_space<vmem>>, vector<1x16xf32>,
      %swap3A_298 = vector.shape_cast %swap3A_297 : vector<1x16xf32> to vector<16xf32>
      %swap3A_299 = vector.shape_cast %get3A_294 : vector<16xf32> to vector<1x16xf32>
      tpu.vector_store %arg10[%swap3A_295, %swap3A_296], %swap3A_299 {add = true, strides = array<i32>} : memref<200x128xf32, #tpu.memory_space<vmem>>, vector<1x16xf32>,
      %get3A_300 = arith.index_cast %scan3A_256 : i32 to index
      %get3A_301 = arith.constant 80 : index
      %get3A_302 = tpu.vector_load %arg7[%get3A_300, %get3A_301] {strides = array<i32>} : memref<200x128xf32, #tpu.memory_space<vmem>>, vector<1x16xf32>,
      %get3A_303 = vector.shape_cast %get3A_302 : vector<1x16xf32> to vector<16xf32>
      %swap3A_304 = arith.index_cast %scan3A_256 : i32 to index
      %swap3A_305 = arith.constant 80 : index
      %swap3A_306 = tpu.vector_load %arg10[%swap3A_304, %swap3A_305] {strides = array<i32>} : memref<200x128xf32, #tpu.memory_space<vmem>>, vector<1x16xf32>,
      %swap3A_307 = vector.shape_cast %swap3A_306 : vector<1x16xf32> to vector<16xf32>
      %swap3A_308 = vector.shape_cast %get3A_303 : vector<16xf32> to vector<1x16xf32>
      tpu.vector_store %arg10[%swap3A_304, %swap3A_305], %swap3A_308 {add = true, strides = array<i32>} : memref<200x128xf32, #tpu.memory_space<vmem>>, vector<1x16xf32>,
      %get3A_309 = arith.index_cast %scan3A_256 : i32 to index
      %get3A_310 = arith.constant 96 : index
      %get3A_311 = tpu.vector_load %arg7[%get3A_309, %get3A_310] {strides = array<i32>} : memref<200x128xf32, #tpu.memory_space<vmem>>, vector<1x16xf32>,
      %get3A_312 = vector.shape_cast %get3A_311 : vector<1x16xf32> to vector<16xf32>
      %swap3A_313 = arith.index_cast %scan3A_256 : i32 to index
      %swap3A_314 = arith.constant 96 : index
      %swap3A_315 = tpu.vector_load %arg10[%swap3A_313, %swap3A_314] {strides = array<i32>} : memref<200x128xf32, #tpu.memory_space<vmem>>, vector<1x16xf32>,
      %swap3A_316 = vector.shape_cast %swap3A_315 : vector<1x16xf32> to vector<16xf32>
      %swap3A_317 = vector.shape_cast %get3A_312 : vector<16xf32> to vector<1x16xf32>
      tpu.vector_store %arg10[%swap3A_313, %swap3A_314], %swap3A_317 {add = true, strides = array<i32>} : memref<200x128xf32, #tpu.memory_space<vmem>>, vector<1x16xf32>,
      %get3A_318 = arith.index_cast %scan3A_256 : i32 to index
      %get3A_319 = arith.constant 112 : index
      %get3A_320 = tpu.vector_load %arg7[%get3A_318, %get3A_319] {strides = array<i32>} : memref<200x128xf32, #tpu.memory_space<vmem>>, vector<1x16xf32>,
      %get3A_321 = vector.shape_cast %get3A_320 : vector<1x16xf32> to vector<16xf32>
      %swap3A_322 = arith.index_cast %scan3A_256 : i32 to index
      %swap3A_323 = arith.constant 112 : index
      %swap3A_324 = tpu.vector_load %arg10[%swap3A_322, %swap3A_323] {strides = array<i32>} : memref<200x128xf32, #tpu.memory_space<vmem>>, vector<1x16xf32>,
      %swap3A_325 = vector.shape_cast %swap3A_324 : vector<1x16xf32> to vector<16xf32>
      %swap3A_326 = vector.shape_cast %get3A_321 : vector<16xf32> to vector<1x16xf32>
      tpu.vector_store %arg10[%swap3A_322, %swap3A_323], %swap3A_326 {add = true, strides = array<i32>} : memref<200x128xf32, #tpu.memory_space<vmem>>, vector<1x16xf32>,
    }
    %scan3A_153 = arith.constant 200 : i32
    %add3A_154 = arith.constant 5800 : i32
    %add3A_155 = arith.addi %mul3A_2, %add3A_154 : i32
    %dma_start3A_156 = arith.constant 0 : i32
    %dma_start3A_157 = tpu.memref_slice %arg5[%add3A_155, %dma_start3A_156] : memref<204800x128xf32, #tpu.memory_space<hbm>> -> memref<200x128xf32, #tpu.memory_space<hbm>>
    %dma_start3A_158 = arith.constant 0 : i32
    %dma_start3A_159 = tpu.memref_slice %arg5[%add3A_155, %dma_start3A_158] : memref<204800x128xf32, #tpu.memory_space<hbm>> -> memref<200x128xf32, #tpu.memory_space<hbm>>
    tpu.enqueue_dma source(%arg10 : memref<200x128xf32, #tpu.memory_space<vmem>>) target(%dma_start3A_159 : memref<200x128xf32, #tpu.memory_space<hbm>>) target_semaphore(%arg16 : memref<!tpu.dma_semaphore, #tpu.memory_space<semaphore_mem>>)
    %add3A_160 = arith.constant 5600 : i32
    %add3A_161 = arith.addi %mul3A_2, %add3A_160 : i32
    %dma_wait3A_162 = arith.constant 0 : i32
    %dma_wait3A_163 = tpu.memref_slice %arg5[%add3A_161, %dma_wait3A_162] : memref<204800x128xf32, #tpu.memory_space<hbm>> -> memref<200x128xf32, #tpu.memory_space<hbm>>
    %dma_wait3A_164 = arith.constant 0 : i32
    %dma_wait3A_165 = tpu.memref_slice %arg5[%add3A_161, %dma_wait3A_164] : memref<204800x128xf32, #tpu.memory_space<hbm>> -> memref<200x128xf32, #tpu.memory_space<hbm>>
    tpu.wait_dma2 semaphore(%arg15 : memref<!tpu.dma_semaphore, #tpu.memory_space<semaphore_mem>>) src(%arg9 : memref<200x128xf32, #tpu.memory_space<vmem>>) dst(%dma_wait3A_165 : memref<200x128xf32, #tpu.memory_space<hbm>>)
    %dma_start3A_166 = arith.constant 0 : i32
    %dma_start3A_167 = arith.constant 0 : i32
    %dma_start3A_168 = tpu.memref_slice %arg9[%dma_start3A_166, %dma_start3A_167] : memref<200x128xf32, #tpu.memory_space<vmem>> -> memref<128x128xf32, #tpu.memory_space<vmem>>
    %dma_start3A_169 = arith.constant 6200 : i32
    %dma_start3A_170 = tpu.memref_slice %arg6[%dma_start3A_169] : memref<6400xi32, #tpu.memory_space<vmem>> -> memref<128xi32, #tpu.memory_space<vmem>>
    %dma_start3A_171 = arith.constant 0 : i32
    %dma_start3A_172 = arith.constant 0 : i32
    %dma_start3A_173 = tpu.memref_slice %arg2[%dma_start3A_171, %dma_start3A_172] : memref<100000x128xf32, #tpu.memory_space<hbm>> -> memref<100000x128xf32, #tpu.memory_space<hbm>>
    tpu.enqueue_indirect_dma source(%dma_start3A_173 : memref<100000x128xf32, #tpu.memory_space<hbm>>) target(%dma_start3A_168 : memref<128x128xf32, #tpu.memory_space<vmem>>) offsets(%dma_start3A_170 : memref<128xi32, #tpu.memory_space<vmem>>) semaphore(%arg12 : memref<!tpu.dma_semaphore, #tpu.memory_space<semaphore_mem>>)
    %dma_start3A_174 = arith.constant 128 : i32
    %dma_start3A_175 = arith.constant 0 : i32
    %dma_start3A_176 = tpu.memref_slice %arg9[%dma_start3A_174, %dma_start3A_175] : memref<200x128xf32, #tpu.memory_space<vmem>> -> memref<72x128xf32, #tpu.memory_space<vmem>>
    %dma_start3A_177 = arith.constant 6328 : i32
    %dma_start3A_178 = tpu.memref_slice %arg6[%dma_start3A_177] : memref<6400xi32, #tpu.memory_space<vmem>> -> memref<72xi32, #tpu.memory_space<vmem>>
    %dma_start3A_179 = arith.constant 0 : i32
    %dma_start3A_180 = arith.constant 0 : i32
    %dma_start3A_181 = tpu.memref_slice %arg2[%dma_start3A_179, %dma_start3A_180] : memref<100000x128xf32, #tpu.memory_space<hbm>> -> memref<100000x128xf32, #tpu.memory_space<hbm>>
    tpu.enqueue_indirect_dma source(%dma_start3A_181 : memref<100000x128xf32, #tpu.memory_space<hbm>>) target(%dma_start3A_176 : memref<72x128xf32, #tpu.memory_space<vmem>>) offsets(%dma_start3A_178 : memref<72xi32, #tpu.memory_space<vmem>>) semaphore(%arg12 : memref<!tpu.dma_semaphore, #tpu.memory_space<semaphore_mem>>)
    %dma_wait3A_182 = arith.constant 0 : i32
    %dma_wait3A_183 = arith.constant 0 : i32
    %dma_wait3A_184 = tpu.memref_slice %arg8[%dma_wait3A_182, %dma_wait3A_183] : memref<200x128xf32, #tpu.memory_space<vmem>> -> memref<128x128xf32, #tpu.memory_space<vmem>>
    %dma_wait3A_185 = arith.constant 6000 : i32
    %dma_wait3A_186 = tpu.memref_slice %arg6[%dma_wait3A_185] : memref<6400xi32, #tpu.memory_space<vmem>> -> memref<128xi32, #tpu.memory_space<vmem>>
    %dma_wait3A_187 = arith.constant 0 : i32
    %dma_wait3A_188 = arith.constant 0 : i32
    %dma_wait3A_189 = tpu.memref_slice %arg2[%dma_wait3A_187, %dma_wait3A_188] : memref<100000x128xf32, #tpu.memory_space<hbm>> -> memref<100000x128xf32, #tpu.memory_space<hbm>>
    tpu.wait_indirect_dma semaphore(%arg11 : memref<!tpu.dma_semaphore, #tpu.memory_space<semaphore_mem>>) src(%dma_wait3A_189 : memref<100000x128xf32, #tpu.memory_space<hbm>>) dst(%dma_wait3A_184 : memref<128x128xf32, #tpu.memory_space<vmem>>)
    %dma_wait3A_190 = arith.constant 128 : i32
    %dma_wait3A_191 = arith.constant 0 : i32
    %dma_wait3A_192 = tpu.memref_slice %arg8[%dma_wait3A_190, %dma_wait3A_191] : memref<200x128xf32, #tpu.memory_space<vmem>> -> memref<72x128xf32, #tpu.memory_space<vmem>>
    %dma_wait3A_193 = arith.constant 6128 : i32
    %dma_wait3A_194 = tpu.memref_slice %arg6[%dma_wait3A_193] : memref<6400xi32, #tpu.memory_space<vmem>> -> memref<72xi32, #tpu.memory_space<vmem>>
    %dma_wait3A_195 = arith.constant 0 : i32
    %dma_wait3A_196 = arith.constant 0 : i32
    %dma_wait3A_197 = tpu.memref_slice %arg2[%dma_wait3A_195, %dma_wait3A_196] : memref<100000x128xf32, #tpu.memory_space<hbm>> -> memref<100000x128xf32, #tpu.memory_space<hbm>>
    tpu.wait_indirect_dma semaphore(%arg11 : memref<!tpu.dma_semaphore, #tpu.memory_space<semaphore_mem>>) src(%dma_wait3A_197 : memref<100000x128xf32, #tpu.memory_space<hbm>>) dst(%dma_wait3A_192 : memref<72x128xf32, #tpu.memory_space<vmem>>)
    %scan3A_198 = arith.constant 0 : i32
    %scan3A_199 = arith.constant 0 : i32
    %scan3A_200 = arith.constant 200 : i32
    %scan3A_201 = arith.addi %scan3A_199, %scan3A_200 : i32
    %scan3A_202 = arith.constant 1 : i32
    scf.for %scan3A_256 = %scan3A_199 to %scan3A_201 step %scan3A_202  : i32 {
      %get3A = arith.index_cast %scan3A_256 : i32 to index
      %get3A_257 = arith.constant 0 : index
      %get3A_258 = tpu.vector_load %arg7[%get3A, %get3A_257] {strides = array<i32>} : memref<200x128xf32, #tpu.memory_space<vmem>>, vector<1x16xf32>,
      %get3A_259 = vector.shape_cast %get3A_258 : vector<1x16xf32> to vector<16xf32>
      %swap3A = arith.index_cast %scan3A_256 : i32 to index
      %swap3A_260 = arith.constant 0 : index
      %swap3A_261 = tpu.vector_load %arg8[%swap3A, %swap3A_260] {strides = array<i32>} : memref<200x128xf32, #tpu.memory_space<vmem>>, vector<1x16xf32>,
      %swap3A_262 = vector.shape_cast %swap3A_261 : vector<1x16xf32> to vector<16xf32>
      %swap3A_263 = vector.shape_cast %get3A_259 : vector<16xf32> to vector<1x16xf32>
      tpu.vector_store %arg8[%swap3A, %swap3A_260], %swap3A_263 {add = true, strides = array<i32>} : memref<200x128xf32, #tpu.memory_space<vmem>>, vector<1x16xf32>,
      %get3A_264 = arith.index_cast %scan3A_256 : i32 to index
      %get3A_265 = arith.constant 16 : index
      %get3A_266 = tpu.vector_load %arg7[%get3A_264, %get3A_265] {strides = array<i32>} : memref<200x128xf32, #tpu.memory_space<vmem>>, vector<1x16xf32>,
      %get3A_267 = vector.shape_cast %get3A_266 : vector<1x16xf32> to vector<16xf32>
      %swap3A_268 = arith.index_cast %scan3A_256 : i32 to index
      %swap3A_269 = arith.constant 16 : index
      %swap3A_270 = tpu.vector_load %arg8[%swap3A_268, %swap3A_269] {strides = array<i32>} : memref<200x128xf32, #tpu.memory_space<vmem>>, vector<1x16xf32>,
      %swap3A_271 = vector.shape_cast %swap3A_270 : vector<1x16xf32> to vector<16xf32>
      %swap3A_272 = vector.shape_cast %get3A_267 : vector<16xf32> to vector<1x16xf32>
      tpu.vector_store %arg8[%swap3A_268, %swap3A_269], %swap3A_272 {add = true, strides = array<i32>} : memref<200x128xf32, #tpu.memory_space<vmem>>, vector<1x16xf32>,
      %get3A_273 = arith.index_cast %scan3A_256 : i32 to index
      %get3A_274 = arith.constant 32 : index
      %get3A_275 = tpu.vector_load %arg7[%get3A_273, %get3A_274] {strides = array<i32>} : memref<200x128xf32, #tpu.memory_space<vmem>>, vector<1x16xf32>,
      %get3A_276 = vector.shape_cast %get3A_275 : vector<1x16xf32> to vector<16xf32>
      %swap3A_277 = arith.index_cast %scan3A_256 : i32 to index
      %swap3A_278 = arith.constant 32 : index
      %swap3A_279 = tpu.vector_load %arg8[%swap3A_277, %swap3A_278] {strides = array<i32>} : memref<200x128xf32, #tpu.memory_space<vmem>>, vector<1x16xf32>,
      %swap3A_280 = vector.shape_cast %swap3A_279 : vector<1x16xf32> to vector<16xf32>
      %swap3A_281 = vector.shape_cast %get3A_276 : vector<16xf32> to vector<1x16xf32>
      tpu.vector_store %arg8[%swap3A_277, %swap3A_278], %swap3A_281 {add = true, strides = array<i32>} : memref<200x128xf32, #tpu.memory_space<vmem>>, vector<1x16xf32>,
      %get3A_282 = arith.index_cast %scan3A_256 : i32 to index
      %get3A_283 = arith.constant 48 : index
      %get3A_284 = tpu.vector_load %arg7[%get3A_282, %get3A_283] {strides = array<i32>} : memref<200x128xf32, #tpu.memory_space<vmem>>, vector<1x16xf32>,
      %get3A_285 = vector.shape_cast %get3A_284 : vector<1x16xf32> to vector<16xf32>
      %swap3A_286 = arith.index_cast %scan3A_256 : i32 to index
      %swap3A_287 = arith.constant 48 : index
      %swap3A_288 = tpu.vector_load %arg8[%swap3A_286, %swap3A_287] {strides = array<i32>} : memref<200x128xf32, #tpu.memory_space<vmem>>, vector<1x16xf32>,
      %swap3A_289 = vector.shape_cast %swap3A_288 : vector<1x16xf32> to vector<16xf32>
      %swap3A_290 = vector.shape_cast %get3A_285 : vector<16xf32> to vector<1x16xf32>
      tpu.vector_store %arg8[%swap3A_286, %swap3A_287], %swap3A_290 {add = true, strides = array<i32>} : memref<200x128xf32, #tpu.memory_space<vmem>>, vector<1x16xf32>,
      %get3A_291 = arith.index_cast %scan3A_256 : i32 to index
      %get3A_292 = arith.constant 64 : index
      %get3A_293 = tpu.vector_load %arg7[%get3A_291, %get3A_292] {strides = array<i32>} : memref<200x128xf32, #tpu.memory_space<vmem>>, vector<1x16xf32>,
      %get3A_294 = vector.shape_cast %get3A_293 : vector<1x16xf32> to vector<16xf32>
      %swap3A_295 = arith.index_cast %scan3A_256 : i32 to index
      %swap3A_296 = arith.constant 64 : index
      %swap3A_297 = tpu.vector_load %arg8[%swap3A_295, %swap3A_296] {strides = array<i32>} : memref<200x128xf32, #tpu.memory_space<vmem>>, vector<1x16xf32>,
      %swap3A_298 = vector.shape_cast %swap3A_297 : vector<1x16xf32> to vector<16xf32>
      %swap3A_299 = vector.shape_cast %get3A_294 : vector<16xf32> to vector<1x16xf32>
      tpu.vector_store %arg8[%swap3A_295, %swap3A_296], %swap3A_299 {add = true, strides = array<i32>} : memref<200x128xf32, #tpu.memory_space<vmem>>, vector<1x16xf32>,
      %get3A_300 = arith.index_cast %scan3A_256 : i32 to index
      %get3A_301 = arith.constant 80 : index
      %get3A_302 = tpu.vector_load %arg7[%get3A_300, %get3A_301] {strides = array<i32>} : memref<200x128xf32, #tpu.memory_space<vmem>>, vector<1x16xf32>,
      %get3A_303 = vector.shape_cast %get3A_302 : vector<1x16xf32> to vector<16xf32>
      %swap3A_304 = arith.index_cast %scan3A_256 : i32 to index
      %swap3A_305 = arith.constant 80 : index
      %swap3A_306 = tpu.vector_load %arg8[%swap3A_304, %swap3A_305] {strides = array<i32>} : memref<200x128xf32, #tpu.memory_space<vmem>>, vector<1x16xf32>,
      %swap3A_307 = vector.shape_cast %swap3A_306 : vector<1x16xf32> to vector<16xf32>
      %swap3A_308 = vector.shape_cast %get3A_303 : vector<16xf32> to vector<1x16xf32>
      tpu.vector_store %arg8[%swap3A_304, %swap3A_305], %swap3A_308 {add = true, strides = array<i32>} : memref<200x128xf32, #tpu.memory_space<vmem>>, vector<1x16xf32>,
      %get3A_309 = arith.index_cast %scan3A_256 : i32 to index
      %get3A_310 = arith.constant 96 : index
      %get3A_311 = tpu.vector_load %arg7[%get3A_309, %get3A_310] {strides = array<i32>} : memref<200x128xf32, #tpu.memory_space<vmem>>, vector<1x16xf32>,
      %get3A_312 = vector.shape_cast %get3A_311 : vector<1x16xf32> to vector<16xf32>
      %swap3A_313 = arith.index_cast %scan3A_256 : i32 to index
      %swap3A_314 = arith.constant 96 : index
      %swap3A_315 = tpu.vector_load %arg8[%swap3A_313, %swap3A_314] {strides = array<i32>} : memref<200x128xf32, #tpu.memory_space<vmem>>, vector<1x16xf32>,
      %swap3A_316 = vector.shape_cast %swap3A_315 : vector<1x16xf32> to vector<16xf32>
      %swap3A_317 = vector.shape_cast %get3A_312 : vector<16xf32> to vector<1x16xf32>
      tpu.vector_store %arg8[%swap3A_313, %swap3A_314], %swap3A_317 {add = true, strides = array<i32>} : memref<200x128xf32, #tpu.memory_space<vmem>>, vector<1x16xf32>,
      %get3A_318 = arith.index_cast %scan3A_256 : i32 to index
      %get3A_319 = arith.constant 112 : index
      %get3A_320 = tpu.vector_load %arg7[%get3A_318, %get3A_319] {strides = array<i32>} : memref<200x128xf32, #tpu.memory_space<vmem>>, vector<1x16xf32>,
      %get3A_321 = vector.shape_cast %get3A_320 : vector<1x16xf32> to vector<16xf32>
      %swap3A_322 = arith.index_cast %scan3A_256 : i32 to index
      %swap3A_323 = arith.constant 112 : index
      %swap3A_324 = tpu.vector_load %arg8[%swap3A_322, %swap3A_323] {strides = array<i32>} : memref<200x128xf32, #tpu.memory_space<vmem>>, vector<1x16xf32>,
      %swap3A_325 = vector.shape_cast %swap3A_324 : vector<1x16xf32> to vector<16xf32>
      %swap3A_326 = vector.shape_cast %get3A_321 : vector<16xf32> to vector<1x16xf32>
      tpu.vector_store %arg8[%swap3A_322, %swap3A_323], %swap3A_326 {add = true, strides = array<i32>} : memref<200x128xf32, #tpu.memory_space<vmem>>, vector<1x16xf32>,
    }
    %scan3A_203 = arith.constant 200 : i32
    %add3A_204 = arith.constant 6000 : i32
    %add3A_205 = arith.addi %mul3A_2, %add3A_204 : i32
    %dma_start3A_206 = arith.constant 0 : i32
    %dma_start3A_207 = tpu.memref_slice %arg5[%add3A_205, %dma_start3A_206] : memref<204800x128xf32, #tpu.memory_space<hbm>> -> memref<200x128xf32, #tpu.memory_space<hbm>>
    %dma_start3A_208 = arith.constant 0 : i32
    %dma_start3A_209 = tpu.memref_slice %arg5[%add3A_205, %dma_start3A_208] : memref<204800x128xf32, #tpu.memory_space<hbm>> -> memref<200x128xf32, #tpu.memory_space<hbm>>
    tpu.enqueue_dma source(%arg8 : memref<200x128xf32, #tpu.memory_space<vmem>>) target(%dma_start3A_209 : memref<200x128xf32, #tpu.memory_space<hbm>>) target_semaphore(%arg14 : memref<!tpu.dma_semaphore, #tpu.memory_space<semaphore_mem>>)
    %add3A_210 = arith.constant 5800 : i32
    %add3A_211 = arith.addi %mul3A_2, %add3A_210 : i32
    %dma_wait3A_212 = arith.constant 0 : i32
    %dma_wait3A_213 = tpu.memref_slice %arg5[%add3A_211, %dma_wait3A_212] : memref<204800x128xf32, #tpu.memory_space<hbm>> -> memref<200x128xf32, #tpu.memory_space<hbm>>
    %dma_wait3A_214 = arith.constant 0 : i32
    %dma_wait3A_215 = tpu.memref_slice %arg5[%add3A_211, %dma_wait3A_214] : memref<204800x128xf32, #tpu.memory_space<hbm>> -> memref<200x128xf32, #tpu.memory_space<hbm>>
    tpu.wait_dma2 semaphore(%arg16 : memref<!tpu.dma_semaphore, #tpu.memory_space<semaphore_mem>>) src(%arg10 : memref<200x128xf32, #tpu.memory_space<vmem>>) dst(%dma_wait3A_215 : memref<200x128xf32, #tpu.memory_space<hbm>>)
    %dma_wait3A_216 = arith.constant 0 : i32
    %dma_wait3A_217 = arith.constant 0 : i32
    %dma_wait3A_218 = tpu.memref_slice %arg9[%dma_wait3A_216, %dma_wait3A_217] : memref<200x128xf32, #tpu.memory_space<vmem>> -> memref<128x128xf32, #tpu.memory_space<vmem>>
    %dma_wait3A_219 = arith.constant 6200 : i32
    %dma_wait3A_220 = tpu.memref_slice %arg6[%dma_wait3A_219] : memref<6400xi32, #tpu.memory_space<vmem>> -> memref<128xi32, #tpu.memory_space<vmem>>
    %dma_wait3A_221 = arith.constant 0 : i32
    %dma_wait3A_222 = arith.constant 0 : i32
    %dma_wait3A_223 = tpu.memref_slice %arg2[%dma_wait3A_221, %dma_wait3A_222] : memref<100000x128xf32, #tpu.memory_space<hbm>> -> memref<100000x128xf32, #tpu.memory_space<hbm>>
    tpu.wait_indirect_dma semaphore(%arg12 : memref<!tpu.dma_semaphore, #tpu.memory_space<semaphore_mem>>) src(%dma_wait3A_223 : memref<100000x128xf32, #tpu.memory_space<hbm>>) dst(%dma_wait3A_218 : memref<128x128xf32, #tpu.memory_space<vmem>>)
    %dma_wait3A_224 = arith.constant 128 : i32
    %dma_wait3A_225 = arith.constant 0 : i32
    %dma_wait3A_226 = tpu.memref_slice %arg9[%dma_wait3A_224, %dma_wait3A_225] : memref<200x128xf32, #tpu.memory_space<vmem>> -> memref<72x128xf32, #tpu.memory_space<vmem>>
    %dma_wait3A_227 = arith.constant 6328 : i32
    %dma_wait3A_228 = tpu.memref_slice %arg6[%dma_wait3A_227] : memref<6400xi32, #tpu.memory_space<vmem>> -> memref<72xi32, #tpu.memory_space<vmem>>
    %dma_wait3A_229 = arith.constant 0 : i32
    %dma_wait3A_230 = arith.constant 0 : i32
    %dma_wait3A_231 = tpu.memref_slice %arg2[%dma_wait3A_229, %dma_wait3A_230] : memref<100000x128xf32, #tpu.memory_space<hbm>> -> memref<100000x128xf32, #tpu.memory_space<hbm>>
    tpu.wait_indirect_dma semaphore(%arg12 : memref<!tpu.dma_semaphore, #tpu.memory_space<semaphore_mem>>) src(%dma_wait3A_231 : memref<100000x128xf32, #tpu.memory_space<hbm>>) dst(%dma_wait3A_226 : memref<72x128xf32, #tpu.memory_space<vmem>>)
    %scan3A_232 = arith.constant 0 : i32
    %scan3A_233 = arith.constant 0 : i32
    %scan3A_234 = arith.constant 200 : i32
    %scan3A_235 = arith.addi %scan3A_233, %scan3A_234 : i32
    %scan3A_236 = arith.constant 1 : i32
    scf.for %scan3A_256 = %scan3A_233 to %scan3A_235 step %scan3A_236  : i32 {
      %get3A = arith.index_cast %scan3A_256 : i32 to index
      %get3A_257 = arith.constant 0 : index
      %get3A_258 = tpu.vector_load %arg7[%get3A, %get3A_257] {strides = array<i32>} : memref<200x128xf32, #tpu.memory_space<vmem>>, vector<1x16xf32>,
      %get3A_259 = vector.shape_cast %get3A_258 : vector<1x16xf32> to vector<16xf32>
      %swap3A = arith.index_cast %scan3A_256 : i32 to index
      %swap3A_260 = arith.constant 0 : index
      %swap3A_261 = tpu.vector_load %arg9[%swap3A, %swap3A_260] {strides = array<i32>} : memref<200x128xf32, #tpu.memory_space<vmem>>, vector<1x16xf32>,
      %swap3A_262 = vector.shape_cast %swap3A_261 : vector<1x16xf32> to vector<16xf32>
      %swap3A_263 = vector.shape_cast %get3A_259 : vector<16xf32> to vector<1x16xf32>
      tpu.vector_store %arg9[%swap3A, %swap3A_260], %swap3A_263 {add = true, strides = array<i32>} : memref<200x128xf32, #tpu.memory_space<vmem>>, vector<1x16xf32>,
      %get3A_264 = arith.index_cast %scan3A_256 : i32 to index
      %get3A_265 = arith.constant 16 : index
      %get3A_266 = tpu.vector_load %arg7[%get3A_264, %get3A_265] {strides = array<i32>} : memref<200x128xf32, #tpu.memory_space<vmem>>, vector<1x16xf32>,
      %get3A_267 = vector.shape_cast %get3A_266 : vector<1x16xf32> to vector<16xf32>
      %swap3A_268 = arith.index_cast %scan3A_256 : i32 to index
      %swap3A_269 = arith.constant 16 : index
      %swap3A_270 = tpu.vector_load %arg9[%swap3A_268, %swap3A_269] {strides = array<i32>} : memref<200x128xf32, #tpu.memory_space<vmem>>, vector<1x16xf32>,
      %swap3A_271 = vector.shape_cast %swap3A_270 : vector<1x16xf32> to vector<16xf32>
      %swap3A_272 = vector.shape_cast %get3A_267 : vector<16xf32> to vector<1x16xf32>
      tpu.vector_store %arg9[%swap3A_268, %swap3A_269], %swap3A_272 {add = true, strides = array<i32>} : memref<200x128xf32, #tpu.memory_space<vmem>>, vector<1x16xf32>,
      %get3A_273 = arith.index_cast %scan3A_256 : i32 to index
      %get3A_274 = arith.constant 32 : index
      %get3A_275 = tpu.vector_load %arg7[%get3A_273, %get3A_274] {strides = array<i32>} : memref<200x128xf32, #tpu.memory_space<vmem>>, vector<1x16xf32>,
      %get3A_276 = vector.shape_cast %get3A_275 : vector<1x16xf32> to vector<16xf32>
      %swap3A_277 = arith.index_cast %scan3A_256 : i32 to index
      %swap3A_278 = arith.constant 32 : index
      %swap3A_279 = tpu.vector_load %arg9[%swap3A_277, %swap3A_278] {strides = array<i32>} : memref<200x128xf32, #tpu.memory_space<vmem>>, vector<1x16xf32>,
      %swap3A_280 = vector.shape_cast %swap3A_279 : vector<1x16xf32> to vector<16xf32>
      %swap3A_281 = vector.shape_cast %get3A_276 : vector<16xf32> to vector<1x16xf32>
      tpu.vector_store %arg9[%swap3A_277, %swap3A_278], %swap3A_281 {add = true, strides = array<i32>} : memref<200x128xf32, #tpu.memory_space<vmem>>, vector<1x16xf32>,
      %get3A_282 = arith.index_cast %scan3A_256 : i32 to index
      %get3A_283 = arith.constant 48 : index
      %get3A_284 = tpu.vector_load %arg7[%get3A_282, %get3A_283] {strides = array<i32>} : memref<200x128xf32, #tpu.memory_space<vmem>>, vector<1x16xf32>,
      %get3A_285 = vector.shape_cast %get3A_284 : vector<1x16xf32> to vector<16xf32>
      %swap3A_286 = arith.index_cast %scan3A_256 : i32 to index
      %swap3A_287 = arith.constant 48 : index
      %swap3A_288 = tpu.vector_load %arg9[%swap3A_286, %swap3A_287] {strides = array<i32>} : memref<200x128xf32, #tpu.memory_space<vmem>>, vector<1x16xf32>,
      %swap3A_289 = vector.shape_cast %swap3A_288 : vector<1x16xf32> to vector<16xf32>
      %swap3A_290 = vector.shape_cast %get3A_285 : vector<16xf32> to vector<1x16xf32>
      tpu.vector_store %arg9[%swap3A_286, %swap3A_287], %swap3A_290 {add = true, strides = array<i32>} : memref<200x128xf32, #tpu.memory_space<vmem>>, vector<1x16xf32>,
      %get3A_291 = arith.index_cast %scan3A_256 : i32 to index
      %get3A_292 = arith.constant 64 : index
      %get3A_293 = tpu.vector_load %arg7[%get3A_291, %get3A_292] {strides = array<i32>} : memref<200x128xf32, #tpu.memory_space<vmem>>, vector<1x16xf32>,
      %get3A_294 = vector.shape_cast %get3A_293 : vector<1x16xf32> to vector<16xf32>
      %swap3A_295 = arith.index_cast %scan3A_256 : i32 to index
      %swap3A_296 = arith.constant 64 : index
      %swap3A_297 = tpu.vector_load %arg9[%swap3A_295, %swap3A_296] {strides = array<i32>} : memref<200x128xf32, #tpu.memory_space<vmem>>, vector<1x16xf32>,
      %swap3A_298 = vector.shape_cast %swap3A_297 : vector<1x16xf32> to vector<16xf32>
      %swap3A_299 = vector.shape_cast %get3A_294 : vector<16xf32> to vector<1x16xf32>
      tpu.vector_store %arg9[%swap3A_295, %swap3A_296], %swap3A_299 {add = true, strides = array<i32>} : memref<200x128xf32, #tpu.memory_space<vmem>>, vector<1x16xf32>,
      %get3A_300 = arith.index_cast %scan3A_256 : i32 to index
      %get3A_301 = arith.constant 80 : index
      %get3A_302 = tpu.vector_load %arg7[%get3A_300, %get3A_301] {strides = array<i32>} : memref<200x128xf32, #tpu.memory_space<vmem>>, vector<1x16xf32>,
      %get3A_303 = vector.shape_cast %get3A_302 : vector<1x16xf32> to vector<16xf32>
      %swap3A_304 = arith.index_cast %scan3A_256 : i32 to index
      %swap3A_305 = arith.constant 80 : index
      %swap3A_306 = tpu.vector_load %arg9[%swap3A_304, %swap3A_305] {strides = array<i32>} : memref<200x128xf32, #tpu.memory_space<vmem>>, vector<1x16xf32>,
      %swap3A_307 = vector.shape_cast %swap3A_306 : vector<1x16xf32> to vector<16xf32>
      %swap3A_308 = vector.shape_cast %get3A_303 : vector<16xf32> to vector<1x16xf32>
      tpu.vector_store %arg9[%swap3A_304, %swap3A_305], %swap3A_308 {add = true, strides = array<i32>} : memref<200x128xf32, #tpu.memory_space<vmem>>, vector<1x16xf32>,
      %get3A_309 = arith.index_cast %scan3A_256 : i32 to index
      %get3A_310 = arith.constant 96 : index
      %get3A_311 = tpu.vector_load %arg7[%get3A_309, %get3A_310] {strides = array<i32>} : memref<200x128xf32, #tpu.memory_space<vmem>>, vector<1x16xf32>,
      %get3A_312 = vector.shape_cast %get3A_311 : vector<1x16xf32> to vector<16xf32>
      %swap3A_313 = arith.index_cast %scan3A_256 : i32 to index
      %swap3A_314 = arith.constant 96 : index
      %swap3A_315 = tpu.vector_load %arg9[%swap3A_313, %swap3A_314] {strides = array<i32>} : memref<200x128xf32, #tpu.memory_space<vmem>>, vector<1x16xf32>,
      %swap3A_316 = vector.shape_cast %swap3A_315 : vector<1x16xf32> to vector<16xf32>
      %swap3A_317 = vector.shape_cast %get3A_312 : vector<16xf32> to vector<1x16xf32>
      tpu.vector_store %arg9[%swap3A_313, %swap3A_314], %swap3A_317 {add = true, strides = array<i32>} : memref<200x128xf32, #tpu.memory_space<vmem>>, vector<1x16xf32>,
      %get3A_318 = arith.index_cast %scan3A_256 : i32 to index
      %get3A_319 = arith.constant 112 : index
      %get3A_320 = tpu.vector_load %arg7[%get3A_318, %get3A_319] {strides = array<i32>} : memref<200x128xf32, #tpu.memory_space<vmem>>, vector<1x16xf32>,
      %get3A_321 = vector.shape_cast %get3A_320 : vector<1x16xf32> to vector<16xf32>
      %swap3A_322 = arith.index_cast %scan3A_256 : i32 to index
      %swap3A_323 = arith.constant 112 : index
      %swap3A_324 = tpu.vector_load %arg9[%swap3A_322, %swap3A_323] {strides = array<i32>} : memref<200x128xf32, #tpu.memory_space<vmem>>, vector<1x16xf32>,
      %swap3A_325 = vector.shape_cast %swap3A_324 : vector<1x16xf32> to vector<16xf32>
      %swap3A_326 = vector.shape_cast %get3A_321 : vector<16xf32> to vector<1x16xf32>
      tpu.vector_store %arg9[%swap3A_322, %swap3A_323], %swap3A_326 {add = true, strides = array<i32>} : memref<200x128xf32, #tpu.memory_space<vmem>>, vector<1x16xf32>,
    }
    %scan3A_237 = arith.constant 200 : i32
    %add3A_238 = arith.constant 6200 : i32
    %add3A_239 = arith.addi %mul3A_2, %add3A_238 : i32
    %dma_start3A_240 = arith.constant 0 : i32
    %dma_start3A_241 = tpu.memref_slice %arg5[%add3A_239, %dma_start3A_240] : memref<204800x128xf32, #tpu.memory_space<hbm>> -> memref<200x128xf32, #tpu.memory_space<hbm>>
    %dma_start3A_242 = arith.constant 0 : i32
    %dma_start3A_243 = tpu.memref_slice %arg5[%add3A_239, %dma_start3A_242] : memref<204800x128xf32, #tpu.memory_space<hbm>> -> memref<200x128xf32, #tpu.memory_space<hbm>>
    tpu.enqueue_dma source(%arg9 : memref<200x128xf32, #tpu.memory_space<vmem>>) target(%dma_start3A_243 : memref<200x128xf32, #tpu.memory_space<hbm>>) target_semaphore(%arg15 : memref<!tpu.dma_semaphore, #tpu.memory_space<semaphore_mem>>)
    %add3A_244 = arith.constant 6000 : i32
    %add3A_245 = arith.addi %mul3A_2, %add3A_244 : i32
    %dma_wait3A_246 = arith.constant 0 : i32
    %dma_wait3A_247 = tpu.memref_slice %arg5[%add3A_245, %dma_wait3A_246] : memref<204800x128xf32, #tpu.memory_space<hbm>> -> memref<200x128xf32, #tpu.memory_space<hbm>>
    %dma_wait3A_248 = arith.constant 0 : i32
    %dma_wait3A_249 = tpu.memref_slice %arg5[%add3A_245, %dma_wait3A_248] : memref<204800x128xf32, #tpu.memory_space<hbm>> -> memref<200x128xf32, #tpu.memory_space<hbm>>
    tpu.wait_dma2 semaphore(%arg14 : memref<!tpu.dma_semaphore, #tpu.memory_space<semaphore_mem>>) src(%arg8 : memref<200x128xf32, #tpu.memory_space<vmem>>) dst(%dma_wait3A_249 : memref<200x128xf32, #tpu.memory_space<hbm>>)
    %add3A_250 = arith.constant 6200 : i32
    %add3A_251 = arith.addi %mul3A_2, %add3A_250 : i32
    %dma_wait3A_252 = arith.constant 0 : i32
    %dma_wait3A_253 = tpu.memref_slice %arg5[%add3A_251, %dma_wait3A_252] : memref<204800x128xf32, #tpu.memory_space<hbm>> -> memref<200x128xf32, #tpu.memory_space<hbm>>
    %dma_wait3A_254 = arith.constant 0 : i32
    %dma_wait3A_255 = tpu.memref_slice %arg5[%add3A_251, %dma_wait3A_254] : memref<204800x128xf32, #tpu.memory_space<hbm>> -> memref<200x128xf32, #tpu.memory_space<hbm>>
    tpu.wait_dma2 semaphore(%arg15 : memref<!tpu.dma_semaphore, #tpu.memory_space<semaphore_mem>>) src(%arg9 : memref<200x128xf32, #tpu.memory_space<vmem>>) dst(%dma_wait3A_255 : memref<200x128xf32, #tpu.memory_space<hbm>>)
    return
  }
}

</mosaic_0001>

<sc_bundles>
// kernel: _sc_call.3.cloned.1.call-start
scs
__scs_entry_jumppad:
0x0: {  	(pc) =	sbr.rel $0x88, $3  }
0x1: {  	(tag) =	ssettag $0x0;
	lr =	simm.s32 $0x1  }
0x2: {  	[smem:$0x3F9E] =	sst lr;
	_ =	strace $0xD0000000  }
0x3: {  	_ = 	snop  }
0x4: {  	_ = 	snop  }
0x5: {  	_ = 	snop  }
0x6: {  	_ = 	snop  }
0x7: {  	_ = 	snop  }
__scs_overlays_trampoline_lowered:
0x8: {  	[smem:$0x3FAD] =	sst s0  }
0x9: {  	[smem:$0x3FAE] =	sst s1  }
0xa: {  	[smem:$0x3FAF] =	sst s2  }
0xb: {  	[smem:$0x3FB0] =	sst s3  }
0xc: {  	[smem:$0x3FB1] =	sst s4  }
0xd: {  	[smem:$0x3FB2] =	sst s5  }
0xe: {  	[smem:$0x3FB3] =	sst s6  }
0xf: {  	[smem:$0x3FB4] =	sst s7  }
0x10: {  	[smem:$0x3FB5] =	sst s8  }
0x11: {  	[smem:$0x3FB6] =	sst s9;
	s0 =	simm.s32 @!p0 $0x0  }
0x12: {  	s1 =	sld [smem:$0x3F9C];
	s0 =	simm.s32 @p0 $0x1  }
0x13: {  	[smem:$0x3FB7] =	sst s0;
	s0 =	simm.s32 @!p1 $0x0  }
0x14: {  	s2 =	sld [smem:$0x3F9B];
	s0 =	simm.s32 @p1 $0x1  }
0x15: {  	[smem:$0x3FB8] =	sst s0;
	s0 =	simm.s32 @!p2 $0x0  }
0x16: {  	s3 =	sld [smem:$0x3FDB];
	s0 =	simm.s32 @p2 $0x1  }
0x17: {  	s4 =	simm.s32 $0x1BF5;
	[smem:$0x3FBA] =	sst s0  }
0x18: {  	s0 =	sld [smem:$0x3F9D];
	_ =	swait.ge [sflag:s4], $0x0  }
0x19: {  	s7 =	sld [smem:$0x3F9E]  }
0x1a: {  	s8 =	sadd.s32 $0xFFFFE003, lr  }
0x1b: {  	s9 =	sadd.s32 $0xFFFFFEF7, lr;
	s5 =	simm.s32 $0xFFFFFFFF;
	p2 =	slt.u32 s8, $0xFFFFF086  }
0x1c: {  	p1 =	slt.u32 s9, $0xF7A;
	s5 =	simm.s32 @!p2 $0x0  }
0x1d: {  	s5 =	simm.s32 @p1 $0x1;
	p0 =	seq.s32 s7, s2  }
0x1e: {  	s7 =	smul.u32 @!p0 $0xF7A, s2;
	p2 =	seq.s32 @!p0 s5, $0x0  }
0x1f: {  	s9 =	smul.u32 $0xF7A, s1;
	s8 =	simm.s32 @!p0 $0x1BF5;
	p2 =	por !p2, p0  }
0x20: {  	[sflag:s8] =	ssyncset.s32 @!p0 $0xFFFFF086;
	s6 =	sadd.s32 @!p0 s3, s7;
	s7 =	simm.s32 @!p0 $0x108  }
0x21: {  	s3 =	sadd.s32 s3, s9;
	s6 =	sadd.s32 @!p0 $0x88, s6;
	s7 =	simm.s32 @p2 $0x1082  }
0x22: {  	[simem:s7], [sflag:s8] =	dma.local @!p0 [hbm:s6], $0xF7A  }
0x23: {  	s9 =	sor.u32 $0xD0000000, s2;
	s6 =	simm.s32 $0x108;
	_ =	swait.ge @!p0 [sflag:s8], $0x0  }
0x24: {  	s3 =	sadd.s32 $0x88, s3;
	s6 =	simm.s32 @!p1 $0x1082;
	[sflag:s4] =	ssyncset.s32 $0xFFFFF086  }
0x25: {  	[simem:s6], [sflag:s4] =	dma.local [hbm:s3], $0xF7A  }
0x26: {  	[smem:$0x3F9E] =	sst s1;
	(tag) =	ssettag s2;
	_ =	strace s9  }
0x27: {  	s1 =	sld [smem:$0x3FAE]  }
0x28: {  	s2 =	sld [smem:$0x3FAF]  }
0x29: {  	s4 =	sld [smem:$0x3FB1]  }
0x2a: {  	p0 =	seq.s32 s5, $0x0;
	s5 =	sld [smem:$0x3FB2]  }
0x2b: {  	s6 =	sld [smem:$0x3FB3]  }
0x2c: {  	s7 =	sld [smem:$0x3FB4]  }
0x2d: {  	s3 =	simm.s32 $0x108;
	s8 =	sld [smem:$0x3FB5]  }
0x2e: {  	s3 =	simm.s32 @!p0 $0x1082;
	s9 =	sld [smem:$0x3FB6]  }
0x2f: {  	lr =	sadd.s32 s0, s3;
	s0 =	sld [smem:$0x3FAD]  }
0x30: {  	s3 =	sld [smem:$0x3FB0]  }
0x31: {  	[smem:$0x3FB9] =	sst s10  }
0x32: {  	s10 =	sld [smem:$0x3FB7];
	_ =	sdelay $0x3  }
0x33: {  	p0 =	seq.s32 s10, $0x1;
	s10 =	sld [smem:$0x3FB9];
	_ =	sdelay $0x3  }
0x34: {  	[smem:$0x3FB9] =	sst s10  }
0x35: {  	s10 =	sld [smem:$0x3FB8];
	_ =	sdelay $0x3  }
0x36: {  	p1 =	seq.s32 s10, $0x1;
	s10 =	sld [smem:$0x3FB9];
	_ =	sdelay $0x3  }
0x37: {  	[smem:$0x3FB9] =	sst s10  }
0x38: {  	s10 =	sld [smem:$0x3FBA]  }
0x39: {  	_ = 	snop;
	(pc) =	sbr.ind lr, $3  }
0x3a: {  	_ = 	snop  }
0x3b: {  	_ = 	snop  }
0x3c: {  	p2 =	seq.s32 s10, $0x1;
	s10 =	sld [smem:$0x3FB9]  }
0x3d: {  	_ =	shalt  }
0x3e: {  	_ =	shalt  }
0x3f: {  	_ =	shalt  }
0x40: {  	_ =	shalt  }
0x41: {  	_ =	shalt  }
0x42: {  	_ =	shalt  }
0x43: {  	_ =	shalt  }
0x44: {  	_ =	shalt  }
0x45: {  	_ =	shalt  }
0x46: {  	_ =	shalt  }
0x47: {  	_ =	shalt  }
0x48: {  	_ =	shalt  }
0x49: {  	_ =	shalt  }
0x4a: {  	_ =	shalt  }
0x4b: {  	_ =	shalt  }
0x4c: {  	_ =	shalt  }
0x4d: {  	_ =	shalt  }
0x4e: {  	_ =	shalt  }
0x4f: {  	_ =	shalt  }
0x50: {  	_ =	shalt  }
0x51: {  	_ =	shalt  }
0x52: {  	_ =	shalt  }
0x53: {  	_ =	shalt  }
0x54: {  	_ =	shalt  }
0x55: {  	_ =	shalt  }
0x56: {  	_ =	shalt  }
0x57: {  	_ =	shalt  }
0x58: {  	_ =	shalt  }
0x59: {  	_ =	shalt  }
0x5a: {  	_ =	shalt  }
0x5b: {  	_ =	shalt  }
0x5c: {  	_ =	shalt  }
0x5d: {  	_ =	shalt  }
0x5e: {  	_ =	shalt  }
0x5f: {  	_ =	shalt  }
0x60: {  	_ =	shalt  }
0x61: {  	_ =	shalt  }
0x62: {  	_ =	shalt  }
0x63: {  	_ =	shalt  }
0x64: {  	_ =	shalt  }
0x65: {  	_ =	shalt  }
0x66: {  	_ =	shalt  }
0x67: {  	_ =	shalt  }
0x68: {  	_ =	shalt  }
0x69: {  	_ =	shalt  }
0x6a: {  	_ =	shalt  }
0x6b: {  	_ =	shalt  }
0x6c: {  	_ =	shalt  }
0x6d: {  	_ =	shalt  }
0x6e: {  	_ =	shalt  }
0x6f: {  	_ =	shalt  }
0x70: {  	_ =	shalt  }
0x71: {  	_ =	shalt  }
0x72: {  	_ =	shalt  }
0x73: {  	_ =	shalt  }
0x74: {  	_ =	shalt  }
0x75: {  	_ =	shalt  }
0x76: {  	_ =	shalt  }
0x77: {  	_ =	shalt  }
0x78: {  	_ =	shalt  }
0x79: {  	_ =	shalt  }
0x7a: {  	_ =	shalt  }
0x7b: {  	_ =	shalt  }
0x7c: {  	_ =	shalt  }
0x7d: {  	_ =	shalt  }
0x7e: {  	_ =	shalt  }
0x7f: {  	_ =	shalt  }
0x80: {  	_ =	shalt  }
0x81: {  	_ =	shalt  }
0x82: {  	_ =	shalt  }
0x83: {  	_ =	shalt  }
0x84: {  	_ =	shalt  }
0x85: {  	_ =	shalt  }
0x86: {  	_ =	shalt  }
0x87: {  	_ =	shalt  }
.Lfunc_end0:
.L_simem_size_0:
called_computation_lowered:
.L_overlay_start_0:
0x88: {  	s2 =	sld [smem:$0x3FD9]  }
0x89: {  	s3 =	sld [smem:$0x3FFE];
	_ =	sdelay $0x1  }
0x8a: {  	s1 =	srdreg.scid  }
0x8b: {  	s0 =	sand.u32 $0x1, s1  }
0x8c: {  	s18 =	sshll.u32 s0, $0xA;
	s2 =	sadd.s32 s3, s2  }
0x8d: {  	s2 =	sadd.s32 s2, s18  }
0x8e: {  	[smem:$0x3FC5] =	sst s2  }
0x8f: {  	_ = 	snop  }
0x90: {  	s2 =	sld [smem:$0x3FC9]  }
0x91: {  	s19 =	sld [smem:$0x3FC8]  }
0x92: {  	s4 =	sld [smem:$0x3FC7]  }
0x93: {  	s5 =	sld [smem:$0x3FD0];
	(tm) =	ssettm $0x1  }
0x94: {  	s6 =	sld [smem:$0x3FFB];
	_ =	sdelay $0x3  }
0x95: {  	_ =	strace s6  }
0x96: {  	s6 =	sld [smem:$0x3FFC];
	_ =	sdelay $0x3  }
0x97: {  	_ =	strace s6  }
0x98: {  	s6 =	sld [smem:$0x3FFD];
	_ =	sdelay $0x3  }
0x99: {  	_ =	strace s6  }
0x9a: {  	_ =	strace $0x8FFFFFFF  }
0x9b: {  	s20 =	sld [smem:$0x3FDB];
	_ =	sdelay $0x1  }
0x9c: {  	s7 =	simm.s32 $_scs_section_size  }
0x9d: {  	s8 =	simm.s32 $_size__tile_overlayer_lowered;
	s9 =	simm.s32 $_tile_overlayer_lowered  }
0x9e: {  	s23 =	simm.s32 $0x1BFF;
	s22 =	sshll.u32 s9, $0x1;
	s6 =	sadd.s32 s7, s20  }
0x9f: {  	s10 =	simm.s32 $0x0;
	s21 =	sshll.u32 s8, $0x1;
	s8 =	sadd.s32 s22, s6  }
0xa0: {  	[timem:s10], [sflag:s23] =	dma.local [hbm:s8], s21  }
0xa1: {  	_ =	swait.ge [sflag:s23], s21  }
0xa2: {  	s7 =	ssub.s32 $0x0, s21;
	[sflag:s23] =	ssyncset.done $0x0  }
0xa3: {  	[sflag:s23] =	ssyncadd.s32 s7;
	_ =	sdelay $0x1  }
0xa4: {  	s24 =	simm.s32 $0x1B8B  }
0xa5: {  	_ =	swait.ge [sflag:s24], $0x1  }
0xa6: {  	[sflag:s24] =	ssyncset.done $0x0  }
0xa7: {  	s25 =	simm.s32 $0x1B8E;
	[sflag:s24] =	ssyncadd.s32 $0xFFFFFFFF  }
0xa8: {  	s26 =	simm.s32 $execute0_lowered;
	[smem:$0x3FD2] =	sst s25  }
0xa9: {  	s7 =	sshll.u32 s26, $0x1;
	_ =	strace $0x80000046;
	[dreg:$0x1] =	wrdreg $0xFFFFFFFF  }
0xaa: {  	s28 =	simm.s32 $_size_execute0_lowered;
	s6 =	sadd.s32 s6, s7;
	[dreg:$0x0] =	wrdreg $0x0  }
0xab: {  	s7 =	sshll.u32 s28, $0x1;
	[dreg:$0x2] =	wrdreg s6  }
0xac: {  	[dreg:$0x3] =	wrdreg s7  }
0xad: {  	[dreg:$0x4] =	wrdreg $0xC0  }
0xae: {  	_ =	task [dreg:s10], $0x5FFFF  }
0xaf: {  	[dreg:$0x1] =	wrdreg $0xFFFFFFFF  }
0xb0: {  	[dreg:$0x0] =	wrdreg $0x60  }
0xb1: {  	[dreg:$0x2] =	wrdreg s2  }
0xb2: {  	[dreg:$0x3] =	wrdreg s19  }
0xb3: {  	[dreg:$0x4] =	wrdreg s4  }
0xb4: {  	[dreg:$0x5] =	wrdreg s5  }
0xb5: {  	[dreg:$0x6] =	wrdreg $0x9  }
0xb6: {  	_ =	task.clear_ibuf [dreg:s10], $0x7FFFF;
	_ =	strace $0x90000046  }
0xb7: {  	s29 =	simm.s32 $0x9;
	_ =	strace $0x80000048  }
0xb8: {  	_ =	swait.ge [sflag:s29], $0x1  }
0xb9: {  	[sflag:s29] =	ssyncadd.s32 $0xFFFFFFFF  }
0xba: {  	_ =	strace $0x90000048  }
0xbb: {  	_ =	sfence  }
0xbc: {  	s30 =	sld [smem:$0x0];
	_ =	sdelay $0x2  }
0xbd: {  	s31 =	sshll.u32 s1, $0xD;
	s1 =	sshrl.u32 s1, $0x2  }
0xbe: {  	s3 =	sand.u32 $0x4000, s31;
	s1 =	sadd.s32 s1, s30  }
0xbf: {  	s0 =	sor.u32 s3, s0;
	s1 =	sshll.u32 s1, $0x11  }
0xc0: {  	s0 =	sor.u32 s1, s0  }
0xc1: {  	s0 =	sadd.s32 $0x8F2B, s0  }
0xc2: {  	[sflag:s0] =	ssyncadd.remote.s32 $0x1  }
0xc3: {  	_ =	sfence.sel $0xFFFF  }
0xc4: {  	[dreg:$0x0] =	wrdreg $0xFFFFFFFF;
	(pc) =	sbr.abs _section_cstart, $3  }
0xc5: {  	[dreg:$0x1] =	wrdreg $0xFFFFFFFF  }
0xc6: {  	_ =	task.clear_ibuf [dreg:s10], $0x2FFFF;
	_ =	strace $0x9FFFFFFF  }
0xc7: {  	(tm) =	ssettm $0x7FFFFFFF  }
tec
execute0_lowered:
.L_overlay_start_1:
0x0: {  	(tag) =	ssettag $0x1  }
0x1: {  	s1 =	rddreg [dreg:$0x0]  }
0x2: {  	s0 =	rddreg [dreg:$0x1];
	s2 =	srdreg.scid  }
0x3: {  	s3 =	stileid.u32;
	s4 =	rddreg [dreg:$0x3];
	s6 =	simm.s32 $0x0  }
0x4: {  	s16 =	simm.s32 $0x7;
	s18 =	simm.s32 $0x80;
	s19 =	simm.s32 $0x7D00  }
0x5: {  	s20 =	simm.s32 $0x48;
	s21 =	simm.s32 $0xBD00;
	s23 =	simm.s32 $0xE100  }
0x6: {  	s29 =	simm.s32 $0x14500;
	s2 =	sand.u32 $0x1, s2;
	s3 =	sshll.u32 s3, $0x1  }
0x7: {  	s31 =	simm.s32 $0x18500;
	s22 =	simm.s32 $0x3;
	s3 =	sor.u32 s2, s3  }
0x8: {  	s28 =	simm.s32 $0x6;
	s17 =	simm.s32 $0x0;
	s5 =	smul.u32 $0x1900, s3  }
0x9: {  	[smem:$0x7FF] =	sst s6;
	s2 =	ssub.s32 $0x2, s2;
	s7 =	smul.u32 $0x19000, s3  }
0xa: {  	_ =	strace $0x80000047;
	s8 =	sshrl.u32 s2, $0x1;
	s3 =	smul.u32 $0xC8000, s3  }
0xb: {  	s2 =	ssub.s32 s2, s8;
	s24 =	sshrl.u32 s5, $0x3;
	s8 =	sadd.s32 s4, s7  }
0xc: {  	s25 =	sshrl.u32 s3, $0x3;
	s10 =	sadd.s32 $0x190, s5;
	s11 =	sadd.s32 $0x258, s5  }
0xd: {  	s15 =	smax.u32 s2, $0x1;
	s2 =	simm.s32 $0x2;
	s0 =	sadd.s32 s0, s24  }
0xe: {  	s26 =	sadd.s32 $0xC80, s8;
	s24 =	simm.s32 $0x5;
	[dreg:$0x5] =	wrdreg s0  }
0xf: {  	[dreg:$0x6] =	wrdreg s26;
	s0 =	sadd.s32 s4, s25;
	s25 =	simm.s32 $0x12100  }
0x10: {  	s26 =	simm.s32 $0x1;
	s30 =	sadd.s32 $0x16A80, s0;
	s13 =	sadd.s32 $0x17700, s0  }
0x11: {  	s14 =	sadd.s32 $0x18380, s0;
	s0 =	simm.s32 $0x4;
	[dreg:$0x7] =	wrdreg s30  }
.LBB2_1:
0x12: {  	s3 =	rddreg [dreg:$0x5]  }
0x13: {  	[tilespmem:s6], [sflag:$0x7] =	stream.linear.gather [hbm4b:s3+s6], $0x1900, $0x38;
	[tilespmem:$0x1A900] =	vst v63  }
0x14: {  	_ =	swait.ge [sflag:s16], $0x1900  }
0x15: {  	[sflag:s16] =	ssyncset.done $0x0  }
0x16: {  	[sflag:s16] =	ssyncadd.s32 $0xFFFFE700  }
0x17: {  	s7 =	simm.s32 $0x1900;
	s9 =	rddreg [dreg:$0x2]  }
0x18: {  	[tilespmem:s7], [sflag:$0x7] =	stream.linear.gather [hbm4b:s9+s6], $0x6400, $0x38;
	[tilespmem:$0x1A900] =	vst v63  }
0x19: {  	_ =	swait.ge [sflag:s16], $0x6400  }
0x1a: {  	[sflag:s16] =	ssyncset.done $0x0  }
0x1b: {  	[sflag:s16] =	ssyncadd.s32 $0xFFFF9C00  }
0x1c: {  	[tilespmem:s19], [sflag:$0x1] =	stream.indirect.gather [hbm4b:s1+s18], $0x80, s6, s18, $0xb8;
	[tilespmem:$0x1A900] =	vst v63  }
0x1d: {  	_ = 	snop  }
0x1e: {  	[tilespmem:s21], [sflag:$0x1] =	stream.indirect.gather [hbm4b:s1+s20], $0x80, s18, s20, $0xb8;
	[tilespmem:$0x1A900] =	vst v63  }
0x1f: {  	s12 =	simm.s32 $0xC8  }
0x20: {  	[tilespmem:s23], [sflag:$0x2] =	stream.indirect.gather [hbm4b:s1+s18], $0x80, s12, s18, $0xb8;
	[tilespmem:$0x1A900] =	vst v63  }
0x21: {  	s30 =	simm.s32 $0x148  }
0x22: {  	[tilespmem:s25], [sflag:$0x2] =	stream.indirect.gather [hbm4b:s1+s20], $0x80, s30, s20, $0xb8;
	[tilespmem:$0x1A900] =	vst v63  }
0x23: {  	_ =	swait.ge [sflag:s26], $0x4000  }
0x24: {  	[sflag:s26] =	ssyncset.done $0x0  }
0x25: {  	[sflag:s26] =	ssyncadd.s32 $0xFFFFC000  }
0x26: {  	_ =	swait.ge [sflag:s26], $0x2400  }
0x27: {  	[sflag:s26] =	ssyncset.done $0x0  }
0x28: {  	s3 =	simm.s32 $0x0;
	s7 =	simm.s32 $0x200;
	[sflag:s26] =	ssyncadd.s32 $0xFFFFDC00  }
.LBB2_2:
0x29: {  	p0 =	sne.s32 s7, $0x18E00;
	v0 =	vld [tilespmem:s3+$0x1970]  }
0x2a: {  	v1 =	vld [tilespmem:s3+$0x1900]  }
0x2b: {  	v2 =	vld [tilespmem:s3+$0x1910]  }
0x2c: {  	v3 =	vld [tilespmem:s3+$0x1920]  }
0x2d: {  	v4 =	vld [tilespmem:s3+$0x1930]  }
0x2e: {  	[tilespmem:s3+$0x7D70] =	vst.add.f32.msk $0xffff, v0  }
0x2f: {  	v0 =	vld [tilespmem:s3+$0x1940]  }
0x30: {  	v5 =	vld [tilespmem:s3+$0x1950]  }
0x31: {  	v6 =	vld [tilespmem:s3+$0x1960]  }
0x32: {  	[tilespmem:s3+$0x7D00] =	vst.add.f32.msk $0xffff, v1  }
0x33: {  	[tilespmem:s3+$0x7D10] =	vst.add.f32.msk $0xffff, v2  }
.Ltmp0:
0x34: {  	[tilespmem:s3+$0x7D20] =	vst.add.f32.msk $0xffff, v3;
	(pc) =	sbr.rel @p0 .LBB2_2-.Ltmp0, $4  }
0x35: {  	[tilespmem:s3+$0x7D30] =	vst.add.f32.msk $0xffff, v4  }
0x36: {  	[tilespmem:s3+$0x7D40] =	vst.add.f32.msk $0xffff, v0  }
0x37: {  	[tilespmem:s3+$0x7D50] =	vst.add.f32.msk $0xffff, v5  }
0x38: {  	[tilespmem:s3+$0x7D60] =	vst.add.f32.msk $0xffff, v6;
	s3 =	sshra.s32 s7, $0x2;
	s7 =	sadd.s32 $0x200, s7  }
0x39: {  	v0 =	vld [tilespmem:s3+$0x1970]  }
0x3a: {  	v1 =	vld [tilespmem:s3+$0x1900]  }
0x3b: {  	v2 =	vld [tilespmem:s3+$0x1910]  }
0x3c: {  	v3 =	vld [tilespmem:s3+$0x1920]  }
0x3d: {  	v4 =	vld [tilespmem:s3+$0x1930]  }
0x3e: {  	v63 =	vld [tilespmem:s3+$0x1940]  }
0x3f: {  	v5 =	vld [tilespmem:s3+$0x1950]  }
0x40: {  	v6 =	vld [tilespmem:s3+$0x1960]  }
0x41: {  	[tilespmem:s3+$0x7D70] =	vst.add.f32.msk $0xffff, v0  }
0x42: {  	[tilespmem:s3+$0x7D00] =	vst.add.f32.msk $0xffff, v1  }
0x43: {  	[tilespmem:s3+$0x7D10] =	vst.add.f32.msk $0xffff, v2  }
0x44: {  	[tilespmem:s3+$0x7D20] =	vst.add.f32.msk $0xffff, v3  }
0x45: {  	[tilespmem:s3+$0x7D30] =	vst.add.f32.msk $0xffff, v4  }
0x46: {  	[tilespmem:s3+$0x7D40] =	vst.add.f32.msk $0xffff, v63  }
0x47: {  	[tilespmem:s3+$0x7D50] =	vst.add.f32.msk $0xffff, v5  }
0x48: {  	s9 =	simm.s32 $0x0;
	[tilespmem:s3+$0x7D60] =	vst.add.f32.msk $0xffff, v6  }
0x49: {  	[hbm4b:s8+s9] =	stream.linear.scatter [tilespmem:s19], [sflag:$0x4], $0x6400, $0x38;
	[tilespmem:$0x1A900] =	vst v63  }
0x4a: {  	s12 =	simm.s32 $0x190  }
0x4b: {  	[tilespmem:s29], [sflag:$0x3] =	stream.indirect.gather [hbm4b:s1+s18], $0x80, s12, s18, $0xb8;
	[tilespmem:$0x1A900] =	vst v63  }
0x4c: {  	s30 =	simm.s32 $0x210  }
0x4d: {  	[tilespmem:s31], [sflag:$0x3] =	stream.indirect.gather [hbm4b:s1+s20], $0x80, s30, s20, $0xb8;
	[tilespmem:$0x1A900] =	vst v63  }
0x4e: {  	_ =	swait.ge [sflag:s2], $0x4000  }
0x4f: {  	[sflag:s2] =	ssyncset.done $0x0  }
0x50: {  	[sflag:s2] =	ssyncadd.s32 $0xFFFFC000  }
0x51: {  	_ =	swait.ge [sflag:s2], $0x2400  }
0x52: {  	[sflag:s2] =	ssyncset.done $0x0  }
0x53: {  	s7 =	simm.s32 $0x200;
	s3 =	simm.s32 $0x0;
	[sflag:s2] =	ssyncadd.s32 $0xFFFFDC00  }
.LBB2_4:
0x54: {  	p0 =	sne.s32 s7, $0x18E00;
	v0 =	vld [tilespmem:s3+$0x1970]  }
0x55: {  	v1 =	vld [tilespmem:s3+$0x1900]  }
0x56: {  	v2 =	vld [tilespmem:s3+$0x1910]  }
0x57: {  	v3 =	vld [tilespmem:s3+$0x1920]  }
0x58: {  	v4 =	vld [tilespmem:s3+$0x1930]  }
0x59: {  	[tilespmem:s3+$0xE170] =	vst.add.f32.msk $0xffff, v0  }
0x5a: {  	v0 =	vld [tilespmem:s3+$0x1940]  }
0x5b: {  	v5 =	vld [tilespmem:s3+$0x1950]  }
0x5c: {  	v6 =	vld [tilespmem:s3+$0x1960]  }
0x5d: {  	[tilespmem:s3+$0xE100] =	vst.add.f32.msk $0xffff, v1  }
0x5e: {  	[tilespmem:s3+$0xE110] =	vst.add.f32.msk $0xffff, v2  }
.Ltmp1:
0x5f: {  	[tilespmem:s3+$0xE120] =	vst.add.f32.msk $0xffff, v3;
	(pc) =	sbr.rel @p0 .LBB2_4-.Ltmp1, $4  }
0x60: {  	[tilespmem:s3+$0xE130] =	vst.add.f32.msk $0xffff, v4  }
0x61: {  	[tilespmem:s3+$0xE140] =	vst.add.f32.msk $0xffff, v0  }
0x62: {  	[tilespmem:s3+$0xE150] =	vst.add.f32.msk $0xffff, v5  }
0x63: {  	[tilespmem:s3+$0xE160] =	vst.add.f32.msk $0xffff, v6;
	s3 =	sshra.s32 s7, $0x2;
	s7 =	sadd.s32 $0x200, s7  }
0x64: {  	v0 =	vld [tilespmem:s3+$0x1970]  }
0x65: {  	v1 =	vld [tilespmem:s3+$0x1900]  }
0x66: {  	v2 =	vld [tilespmem:s3+$0x1910]  }
0x67: {  	v3 =	vld [tilespmem:s3+$0x1920]  }
0x68: {  	v4 =	vld [tilespmem:s3+$0x1930]  }
0x69: {  	v63 =	vld [tilespmem:s3+$0x1940]  }
0x6a: {  	v5 =	vld [tilespmem:s3+$0x1950]  }
0x6b: {  	v6 =	vld [tilespmem:s3+$0x1960]  }
0x6c: {  	[tilespmem:s3+$0xE170] =	vst.add.f32.msk $0xffff, v0  }
0x6d: {  	[tilespmem:s3+$0xE100] =	vst.add.f32.msk $0xffff, v1  }
0x6e: {  	[tilespmem:s3+$0xE110] =	vst.add.f32.msk $0xffff, v2  }
0x6f: {  	[tilespmem:s3+$0xE120] =	vst.add.f32.msk $0xffff, v3  }
0x70: {  	[tilespmem:s3+$0xE130] =	vst.add.f32.msk $0xffff, v4  }
0x71: {  	[tilespmem:s3+$0xE140] =	vst.add.f32.msk $0xffff, v63  }
0x72: {  	[tilespmem:s3+$0xE150] =	vst.add.f32.msk $0xffff, v5  }
0x73: {  	s30 =	simm.s32 $0x0;
	s7 =	rddreg [dreg:$0x6];
	[tilespmem:s3+$0xE160] =	vst.add.f32.msk $0xffff, v6  }
0x74: {  	[hbm4b:s7+s30] =	stream.linear.scatter [tilespmem:s23], [sflag:$0x5], $0x6400, $0x38;
	[tilespmem:$0x1A900] =	vst v63  }
0x75: {  	_ =	swait.ge [sflag:s0], $0x6400  }
0x76: {  	[sflag:s0] =	ssyncset.done $0x0  }
0x77: {  	s9 =	simm.s32 $0x258;
	[sflag:s0] =	ssyncadd.s32 $0xFFFF9C00  }
0x78: {  	[tilespmem:s19], [sflag:$0x1] =	stream.indirect.gather [hbm4b:s1+s18], $0x80, s9, s18, $0xb8;
	[tilespmem:$0x1A900] =	vst v63  }
0x79: {  	s12 =	simm.s32 $0x2D8  }
0x7a: {  	[tilespmem:s21], [sflag:$0x1] =	stream.indirect.gather [hbm4b:s1+s20], $0x80, s12, s20, $0xb8;
	[tilespmem:$0x1A900] =	vst v63  }
.LBB2_6:
0x7b: {  	_ =	swait.ge [sflag:s22], $0x4000  }
0x7c: {  	[sflag:s22] =	ssyncset.done $0x0  }
0x7d: {  	[sflag:s22] =	ssyncadd.s32 $0xFFFFC000  }
0x7e: {  	_ =	swait.ge [sflag:s22], $0x2400  }
0x7f: {  	[sflag:s22] =	ssyncset.done $0x0  }
0x80: {  	s7 =	simm.s32 $0x0;
	s3 =	simm.s32 $0x200;
	[sflag:s22] =	ssyncadd.s32 $0xFFFFDC00  }
.LBB2_7:
0x81: {  	p0 =	sne.s32 s3, $0x18E00;
	v0 =	vld [tilespmem:s7+$0x1970]  }
0x82: {  	v1 =	vld [tilespmem:s7+$0x1900]  }
0x83: {  	v2 =	vld [tilespmem:s7+$0x1910]  }
0x84: {  	v3 =	vld [tilespmem:s7+$0x1920]  }
0x85: {  	v4 =	vld [tilespmem:s7+$0x1930]  }
0x86: {  	[tilespmem:s7+$0x14570] =	vst.add.f32.msk $0xffff, v0  }
0x87: {  	v0 =	vld [tilespmem:s7+$0x1940]  }
0x88: {  	v5 =	vld [tilespmem:s7+$0x1950]  }
0x89: {  	v6 =	vld [tilespmem:s7+$0x1960]  }
0x8a: {  	[tilespmem:s7+$0x14500] =	vst.add.f32.msk $0xffff, v1  }
0x8b: {  	[tilespmem:s7+$0x14510] =	vst.add.f32.msk $0xffff, v2  }
.Ltmp2:
0x8c: {  	[tilespmem:s7+$0x14520] =	vst.add.f32.msk $0xffff, v3;
	(pc) =	sbr.rel @p0 .LBB2_7-.Ltmp2, $4  }
0x8d: {  	[tilespmem:s7+$0x14530] =	vst.add.f32.msk $0xffff, v4  }
0x8e: {  	[tilespmem:s7+$0x14540] =	vst.add.f32.msk $0xffff, v0  }
0x8f: {  	[tilespmem:s7+$0x14550] =	vst.add.f32.msk $0xffff, v5  }
0x90: {  	[tilespmem:s7+$0x14560] =	vst.add.f32.msk $0xffff, v6;
	s7 =	sshra.s32 s3, $0x2;
	s3 =	sadd.s32 $0x200, s3  }
0x91: {  	v0 =	vld [tilespmem:s7+$0x1970]  }
0x92: {  	v1 =	vld [tilespmem:s7+$0x1900]  }
0x93: {  	v2 =	vld [tilespmem:s7+$0x1910]  }
0x94: {  	v3 =	vld [tilespmem:s7+$0x1920]  }
0x95: {  	v4 =	vld [tilespmem:s7+$0x1930]  }
0x96: {  	v63 =	vld [tilespmem:s7+$0x1940]  }
0x97: {  	v5 =	vld [tilespmem:s7+$0x1950]  }
0x98: {  	v6 =	vld [tilespmem:s7+$0x1960]  }
0x99: {  	[tilespmem:s7+$0x14570] =	vst.add.f32.msk $0xffff, v0  }
0x9a: {  	[tilespmem:s7+$0x14500] =	vst.add.f32.msk $0xffff, v1  }
0x9b: {  	[tilespmem:s7+$0x14510] =	vst.add.f32.msk $0xffff, v2  }
0x9c: {  	s3 =	smul.u32 $0x258, s30;
	[tilespmem:s7+$0x14520] =	vst.add.f32.msk $0xffff, v3  }
0x9d: {  	[tilespmem:s7+$0x14530] =	vst.add.f32.msk $0xffff, v4  }
0x9e: {  	s9 =	sadd.s32 s3, s10;
	[tilespmem:s7+$0x14540] =	vst.add.f32.msk $0xffff, v63  }
0x9f: {  	s9 =	sshll.u32 s9, $0x4;
	[tilespmem:s7+$0x14550] =	vst.add.f32.msk $0xffff, v5  }
0xa0: {  	s12 =	simm.s32 $0x0;
	s9 =	sadd.s32 s4, s9;
	[tilespmem:s7+$0x14560] =	vst.add.f32.msk $0xffff, v6  }
0xa1: {  	[hbm4b:s9+s12] =	stream.linear.scatter [tilespmem:s29], [sflag:$0x6], $0x6400, $0x38;
	[tilespmem:$0x1A900] =	vst v63  }
0xa2: {  	_ =	swait.ge [sflag:s24], $0x6400  }
0xa3: {  	[sflag:s24] =	ssyncset.done $0x0  }
0xa4: {  	s7 =	sadd.s32 $0x320, s3;
	[sflag:s24] =	ssyncadd.s32 $0xFFFF9C00  }
0xa5: {  	[tilespmem:s23], [sflag:$0x2] =	stream.indirect.gather [hbm4b:s1+s18], $0x80, s7, s18, $0xb8;
	[tilespmem:$0x1A900] =	vst v63  }
0xa6: {  	s12 =	sadd.s32 $0x3A0, s3  }
0xa7: {  	[tilespmem:s25], [sflag:$0x2] =	stream.indirect.gather [hbm4b:s1+s20], $0x80, s12, s20, $0xb8;
	[tilespmem:$0x1A900] =	vst v63  }
0xa8: {  	_ =	swait.ge [sflag:s26], $0x4000  }
0xa9: {  	[sflag:s26] =	ssyncset.done $0x0  }
0xaa: {  	[sflag:s26] =	ssyncadd.s32 $0xFFFFC000  }
0xab: {  	_ =	swait.ge [sflag:s26], $0x2400  }
0xac: {  	[sflag:s26] =	ssyncset.done $0x0  }
0xad: {  	s9 =	simm.s32 $0x0;
	s12 =	simm.s32 $0x200;
	[sflag:s26] =	ssyncadd.s32 $0xFFFFDC00  }
.LBB2_9:
0xae: {  	p0 =	sne.s32 s12, $0x18E00;
	v0 =	vld [tilespmem:s9+$0x1970]  }
0xaf: {  	v1 =	vld [tilespmem:s9+$0x1900]  }
0xb0: {  	v2 =	vld [tilespmem:s9+$0x1910]  }
0xb1: {  	v3 =	vld [tilespmem:s9+$0x1920]  }
0xb2: {  	v4 =	vld [tilespmem:s9+$0x1930]  }
0xb3: {  	[tilespmem:s9+$0x7D70] =	vst.add.f32.msk $0xffff, v0  }
0xb4: {  	v0 =	vld [tilespmem:s9+$0x1940]  }
0xb5: {  	v5 =	vld [tilespmem:s9+$0x1950]  }
0xb6: {  	v6 =	vld [tilespmem:s9+$0x1960]  }
0xb7: {  	[tilespmem:s9+$0x7D00] =	vst.add.f32.msk $0xffff, v1  }
0xb8: {  	[tilespmem:s9+$0x7D10] =	vst.add.f32.msk $0xffff, v2  }
.Ltmp3:
0xb9: {  	[tilespmem:s9+$0x7D20] =	vst.add.f32.msk $0xffff, v3;
	(pc) =	sbr.rel @p0 .LBB2_9-.Ltmp3, $4  }
0xba: {  	[tilespmem:s9+$0x7D30] =	vst.add.f32.msk $0xffff, v4  }
0xbb: {  	[tilespmem:s9+$0x7D40] =	vst.add.f32.msk $0xffff, v0  }
0xbc: {  	[tilespmem:s9+$0x7D50] =	vst.add.f32.msk $0xffff, v5  }
0xbd: {  	[tilespmem:s9+$0x7D60] =	vst.add.f32.msk $0xffff, v6;
	s9 =	sshra.s32 s12, $0x2;
	s12 =	sadd.s32 $0x200, s12  }
0xbe: {  	v0 =	vld [tilespmem:s9+$0x1970]  }
0xbf: {  	v1 =	vld [tilespmem:s9+$0x1900]  }
0xc0: {  	v2 =	vld [tilespmem:s9+$0x1910]  }
0xc1: {  	v3 =	vld [tilespmem:s9+$0x1920]  }
0xc2: {  	v4 =	vld [tilespmem:s9+$0x1930]  }
0xc3: {  	v63 =	vld [tilespmem:s9+$0x1940]  }
0xc4: {  	v5 =	vld [tilespmem:s9+$0x1950]  }
0xc5: {  	v6 =	vld [tilespmem:s9+$0x1960]  }
0xc6: {  	[tilespmem:s9+$0x7D70] =	vst.add.f32.msk $0xffff, v0  }
0xc7: {  	[tilespmem:s9+$0x7D00] =	vst.add.f32.msk $0xffff, v1  }
0xc8: {  	[tilespmem:s9+$0x7D10] =	vst.add.f32.msk $0xffff, v2  }
0xc9: {  	[tilespmem:s9+$0x7D20] =	vst.add.f32.msk $0xffff, v3  }
0xca: {  	[tilespmem:s9+$0x7D30] =	vst.add.f32.msk $0xffff, v4  }
0xcb: {  	s12 =	sadd.s32 s3, s11;
	[tilespmem:s9+$0x7D40] =	vst.add.f32.msk $0xffff, v63  }
0xcc: {  	s12 =	sshll.u32 s12, $0x4;
	[tilespmem:s9+$0x7D50] =	vst.add.f32.msk $0xffff, v5  }
0xcd: {  	[tilespmem:s9+$0x7D60] =	vst.add.f32.msk $0xffff, v6;
	s9 =	sadd.s32 s4, s12;
	s12 =	simm.s32 $0x0  }
0xce: {  	[hbm4b:s9+s12] =	stream.linear.scatter [tilespmem:s19], [sflag:$0x4], $0x6400, $0x38;
	[tilespmem:$0x1A900] =	vst v63  }
0xcf: {  	_ =	swait.ge [sflag:s28], $0x6400  }
0xd0: {  	[sflag:s28] =	ssyncset.done $0x0  }
0xd1: {  	s12 =	sadd.s32 $0x3E8, s3;
	[sflag:s28] =	ssyncadd.s32 $0xFFFF9C00  }
0xd2: {  	[tilespmem:s29], [sflag:$0x3] =	stream.indirect.gather [hbm4b:s1+s18], $0x80, s12, s18, $0xb8;
	[tilespmem:$0x1A900] =	vst v63  }
0xd3: {  	s12 =	sadd.s32 $0x468, s3  }
0xd4: {  	[tilespmem:s31], [sflag:$0x3] =	stream.indirect.gather [hbm4b:s1+s20], $0x80, s12, s20, $0xb8;
	[tilespmem:$0x1A900] =	vst v63  }
0xd5: {  	_ =	swait.ge [sflag:s2], $0x4000  }
0xd6: {  	[sflag:s2] =	ssyncset.done $0x0  }
0xd7: {  	[sflag:s2] =	ssyncadd.s32 $0xFFFFC000  }
0xd8: {  	_ =	swait.ge [sflag:s2], $0x2400  }
0xd9: {  	[sflag:s2] =	ssyncset.done $0x0  }
0xda: {  	s9 =	simm.s32 $0x0;
	s12 =	simm.s32 $0x200;
	[sflag:s2] =	ssyncadd.s32 $0xFFFFDC00  }
.LBB2_11:
0xdb: {  	p0 =	sne.s32 s12, $0x18E00;
	v0 =	vld [tilespmem:s9+$0x1970]  }
0xdc: {  	v1 =	vld [tilespmem:s9+$0x1900]  }
0xdd: {  	v2 =	vld [tilespmem:s9+$0x1910]  }
0xde: {  	v3 =	vld [tilespmem:s9+$0x1920]  }
0xdf: {  	v4 =	vld [tilespmem:s9+$0x1930]  }
0xe0: {  	[tilespmem:s9+$0xE170] =	vst.add.f32.msk $0xffff, v0  }
0xe1: {  	v0 =	vld [tilespmem:s9+$0x1940]  }
0xe2: {  	v5 =	vld [tilespmem:s9+$0x1950]  }
0xe3: {  	v6 =	vld [tilespmem:s9+$0x1960]  }
0xe4: {  	[tilespmem:s9+$0xE100] =	vst.add.f32.msk $0xffff, v1  }
0xe5: {  	[tilespmem:s9+$0xE110] =	vst.add.f32.msk $0xffff, v2  }
.Ltmp4:
0xe6: {  	[tilespmem:s9+$0xE120] =	vst.add.f32.msk $0xffff, v3;
	(pc) =	sbr.rel @p0 .LBB2_11-.Ltmp4, $4  }
0xe7: {  	[tilespmem:s9+$0xE130] =	vst.add.f32.msk $0xffff, v4  }
0xe8: {  	[tilespmem:s9+$0xE140] =	vst.add.f32.msk $0xffff, v0  }
0xe9: {  	[tilespmem:s9+$0xE150] =	vst.add.f32.msk $0xffff, v5  }
0xea: {  	[tilespmem:s9+$0xE160] =	vst.add.f32.msk $0xffff, v6;
	s9 =	sshra.s32 s12, $0x2;
	s12 =	sadd.s32 $0x200, s12  }
0xeb: {  	v0 =	vld [tilespmem:s9+$0x1970]  }
0xec: {  	v1 =	vld [tilespmem:s9+$0x1900]  }
0xed: {  	v2 =	vld [tilespmem:s9+$0x1910]  }
0xee: {  	v3 =	vld [tilespmem:s9+$0x1920]  }
0xef: {  	v4 =	vld [tilespmem:s9+$0x1930]  }
0xf0: {  	v63 =	vld [tilespmem:s9+$0x1940]  }
0xf1: {  	v5 =	vld [tilespmem:s9+$0x1950]  }
0xf2: {  	v6 =	vld [tilespmem:s9+$0x1960]  }
0xf3: {  	[tilespmem:s9+$0xE170] =	vst.add.f32.msk $0xffff, v0  }
0xf4: {  	[tilespmem:s9+$0xE100] =	vst.add.f32.msk $0xffff, v1  }
0xf5: {  	[tilespmem:s9+$0xE110] =	vst.add.f32.msk $0xffff, v2  }
0xf6: {  	[tilespmem:s9+$0xE120] =	vst.add.f32.msk $0xffff, v3  }
0xf7: {  	[tilespmem:s9+$0xE130] =	vst.add.f32.msk $0xffff, v4  }
0xf8: {  	s7 =	sadd.s32 s5, s7;
	[tilespmem:s9+$0xE140] =	vst.add.f32.msk $0xffff, v63  }
0xf9: {  	s7 =	sshll.u32 s7, $0x4;
	[tilespmem:s9+$0xE150] =	vst.add.f32.msk $0xffff, v5  }
0xfa: {  	s30 =	sadd.s32 $0x1, s30;
	s7 =	sadd.s32 s4, s7;
	[tilespmem:s9+$0xE160] =	vst.add.f32.msk $0xffff, v6  }
0xfb: {  	[hbm4b:s7+s6] =	stream.linear.scatter [tilespmem:s23], [sflag:$0x5], $0x6400, $0x38;
	[tilespmem:$0x1A900] =	vst v63  }
0xfc: {  	p0 =	sne.s32 s30, $0x9;
	_ =	swait.ge [sflag:s0], $0x6400  }
.Ltmp5:
0xfd: {  	[sflag:s0] =	ssyncset.done $0x0;
	(pc) =	sbr.rel @p0 .LBB2_6-.Ltmp5, $4  }
0xfe: {  	s9 =	sadd.s32 $0x4B0, s3;
	[sflag:s0] =	ssyncadd.s32 $0xFFFF9C00  }
0xff: {  	[tilespmem:s19], [sflag:$0x1] =	stream.indirect.gather [hbm4b:s1+s18], $0x80, s9, s18, $0xb8;
	[tilespmem:$0x1A900] =	vst v63  }
0x100: {  	s12 =	sadd.s32 $0x530, s3  }
0x101: {  	[tilespmem:s21], [sflag:$0x1] =	stream.indirect.gather [hbm4b:s1+s20], $0x80, s12, s20, $0xb8;
	[tilespmem:$0x1A900] =	vst v63  }
0x102: {  	_ =	swait.ge [sflag:s22], $0x4000  }
0x103: {  	[sflag:s22] =	ssyncset.done $0x0  }
0x104: {  	[sflag:s22] =	ssyncadd.s32 $0xFFFFC000  }
0x105: {  	_ =	swait.ge [sflag:s22], $0x2400  }
0x106: {  	[sflag:s22] =	ssyncset.done $0x0  }
0x107: {  	s3 =	simm.s32 $0x0;
	s7 =	simm.s32 $0x200;
	[sflag:s22] =	ssyncadd.s32 $0xFFFFDC00  }
.LBB2_14:
0x108: {  	p0 =	sne.s32 s7, $0x18E00;
	v0 =	vld [tilespmem:s3+$0x1970]  }
0x109: {  	v1 =	vld [tilespmem:s3+$0x1900]  }
0x10a: {  	v2 =	vld [tilespmem:s3+$0x1910]  }
0x10b: {  	v3 =	vld [tilespmem:s3+$0x1920]  }
0x10c: {  	v4 =	vld [tilespmem:s3+$0x1930]  }
0x10d: {  	[tilespmem:s3+$0x14570] =	vst.add.f32.msk $0xffff, v0  }
0x10e: {  	v0 =	vld [tilespmem:s3+$0x1940]  }
0x10f: {  	v5 =	vld [tilespmem:s3+$0x1950]  }
0x110: {  	v6 =	vld [tilespmem:s3+$0x1960]  }
0x111: {  	[tilespmem:s3+$0x14500] =	vst.add.f32.msk $0xffff, v1  }
0x112: {  	[tilespmem:s3+$0x14510] =	vst.add.f32.msk $0xffff, v2  }
.Ltmp6:
0x113: {  	[tilespmem:s3+$0x14520] =	vst.add.f32.msk $0xffff, v3;
	(pc) =	sbr.rel @p0 .LBB2_14-.Ltmp6, $4  }
0x114: {  	[tilespmem:s3+$0x14530] =	vst.add.f32.msk $0xffff, v4  }
0x115: {  	[tilespmem:s3+$0x14540] =	vst.add.f32.msk $0xffff, v0  }
0x116: {  	[tilespmem:s3+$0x14550] =	vst.add.f32.msk $0xffff, v5  }
0x117: {  	[tilespmem:s3+$0x14560] =	vst.add.f32.msk $0xffff, v6;
	s3 =	sshra.s32 s7, $0x2;
	s7 =	sadd.s32 $0x200, s7  }
0x118: {  	v0 =	vld [tilespmem:s3+$0x1970]  }
0x119: {  	v1 =	vld [tilespmem:s3+$0x1900]  }
0x11a: {  	v2 =	vld [tilespmem:s3+$0x1910]  }
0x11b: {  	v3 =	vld [tilespmem:s3+$0x1920]  }
0x11c: {  	v4 =	vld [tilespmem:s3+$0x1930]  }
0x11d: {  	v63 =	vld [tilespmem:s3+$0x1940]  }
0x11e: {  	v5 =	vld [tilespmem:s3+$0x1950]  }
0x11f: {  	v6 =	vld [tilespmem:s3+$0x1960]  }
0x120: {  	[tilespmem:s3+$0x14570] =	vst.add.f32.msk $0xffff, v0  }
0x121: {  	[tilespmem:s3+$0x14500] =	vst.add.f32.msk $0xffff, v1  }
0x122: {  	[tilespmem:s3+$0x14510] =	vst.add.f32.msk $0xffff, v2  }
0x123: {  	[tilespmem:s3+$0x14520] =	vst.add.f32.msk $0xffff, v3  }
0x124: {  	[tilespmem:s3+$0x14530] =	vst.add.f32.msk $0xffff, v4  }
0x125: {  	[tilespmem:s3+$0x14540] =	vst.add.f32.msk $0xffff, v63  }
0x126: {  	[tilespmem:s3+$0x14550] =	vst.add.f32.msk $0xffff, v5  }
0x127: {  	s9 =	simm.s32 $0x0;
	s7 =	rddreg [dreg:$0x7];
	[tilespmem:s3+$0x14560] =	vst.add.f32.msk $0xffff, v6  }
0x128: {  	[hbm4b:s7+s9] =	stream.linear.scatter [tilespmem:s29], [sflag:$0x6], $0x6400, $0x38;
	[tilespmem:$0x1A900] =	vst v63  }
0x129: {  	_ =	swait.ge [sflag:s24], $0x6400  }
0x12a: {  	[sflag:s24] =	ssyncset.done $0x0  }
0x12b: {  	s12 =	simm.s32 $0x1838;
	[sflag:s24] =	ssyncadd.s32 $0xFFFF9C00  }
0x12c: {  	[tilespmem:s23], [sflag:$0x2] =	stream.indirect.gather [hbm4b:s1+s18], $0x80, s12, s18, $0xb8;
	[tilespmem:$0x1A900] =	vst v63  }
0x12d: {  	s30 =	simm.s32 $0x18B8  }
0x12e: {  	[tilespmem:s25], [sflag:$0x2] =	stream.indirect.gather [hbm4b:s1+s20], $0x80, s30, s20, $0xb8;
	[tilespmem:$0x1A900] =	vst v63  }
0x12f: {  	_ =	swait.ge [sflag:s26], $0x4000  }
0x130: {  	[sflag:s26] =	ssyncset.done $0x0  }
0x131: {  	[sflag:s26] =	ssyncadd.s32 $0xFFFFC000  }
0x132: {  	_ =	swait.ge [sflag:s26], $0x2400  }
0x133: {  	[sflag:s26] =	ssyncset.done $0x0  }
0x134: {  	s3 =	simm.s32 $0x0;
	s7 =	simm.s32 $0x200;
	[sflag:s26] =	ssyncadd.s32 $0xFFFFDC00  }
.LBB2_16:
0x135: {  	p0 =	sne.s32 s7, $0x18E00;
	v0 =	vld [tilespmem:s3+$0x1970]  }
0x136: {  	v1 =	vld [tilespmem:s3+$0x1900]  }
0x137: {  	v2 =	vld [tilespmem:s3+$0x1910]  }
0x138: {  	v3 =	vld [tilespmem:s3+$0x1920]  }
0x139: {  	v4 =	vld [tilespmem:s3+$0x1930]  }
0x13a: {  	[tilespmem:s3+$0x7D70] =	vst.add.f32.msk $0xffff, v0  }
0x13b: {  	v0 =	vld [tilespmem:s3+$0x1940]  }
0x13c: {  	v5 =	vld [tilespmem:s3+$0x1950]  }
0x13d: {  	v6 =	vld [tilespmem:s3+$0x1960]  }
0x13e: {  	[tilespmem:s3+$0x7D00] =	vst.add.f32.msk $0xffff, v1  }
0x13f: {  	[tilespmem:s3+$0x7D10] =	vst.add.f32.msk $0xffff, v2  }
.Ltmp7:
0x140: {  	[tilespmem:s3+$0x7D20] =	vst.add.f32.msk $0xffff, v3;
	(pc) =	sbr.rel @p0 .LBB2_16-.Ltmp7, $4  }
0x141: {  	[tilespmem:s3+$0x7D30] =	vst.add.f32.msk $0xffff, v4  }
0x142: {  	[tilespmem:s3+$0x7D40] =	vst.add.f32.msk $0xffff, v0  }
0x143: {  	[tilespmem:s3+$0x7D50] =	vst.add.f32.msk $0xffff, v5  }
0x144: {  	[tilespmem:s3+$0x7D60] =	vst.add.f32.msk $0xffff, v6;
	s3 =	sshra.s32 s7, $0x2;
	s7 =	sadd.s32 $0x200, s7  }
0x145: {  	v0 =	vld [tilespmem:s3+$0x1970]  }
0x146: {  	v1 =	vld [tilespmem:s3+$0x1900]  }
0x147: {  	v2 =	vld [tilespmem:s3+$0x1910]  }
0x148: {  	v3 =	vld [tilespmem:s3+$0x1920]  }
0x149: {  	v4 =	vld [tilespmem:s3+$0x1930]  }
0x14a: {  	v63 =	vld [tilespmem:s3+$0x1940]  }
0x14b: {  	v5 =	vld [tilespmem:s3+$0x1950]  }
0x14c: {  	v6 =	vld [tilespmem:s3+$0x1960]  }
0x14d: {  	[tilespmem:s3+$0x7D70] =	vst.add.f32.msk $0xffff, v0  }
0x14e: {  	[tilespmem:s3+$0x7D00] =	vst.add.f32.msk $0xffff, v1  }
0x14f: {  	[tilespmem:s3+$0x7D10] =	vst.add.f32.msk $0xffff, v2  }
0x150: {  	[tilespmem:s3+$0x7D20] =	vst.add.f32.msk $0xffff, v3  }
0x151: {  	[tilespmem:s3+$0x7D30] =	vst.add.f32.msk $0xffff, v4  }
0x152: {  	[tilespmem:s3+$0x7D40] =	vst.add.f32.msk $0xffff, v63  }
0x153: {  	[tilespmem:s3+$0x7D50] =	vst.add.f32.msk $0xffff, v5  }
0x154: {  	s30 =	simm.s32 $0x0;
	[tilespmem:s3+$0x7D60] =	vst.add.f32.msk $0xffff, v6  }
0x155: {  	[hbm4b:s13+s30] =	stream.linear.scatter [tilespmem:s19], [sflag:$0x4], $0x6400, $0x38;
	[tilespmem:$0x1A900] =	vst v63  }
0x156: {  	_ =	swait.ge [sflag:s28], $0x6400  }
0x157: {  	[sflag:s28] =	ssyncset.done $0x0  }
0x158: {  	[sflag:s28] =	ssyncadd.s32 $0xFFFF9C00  }
0x159: {  	_ =	swait.ge [sflag:s2], $0x4000  }
0x15a: {  	[sflag:s2] =	ssyncset.done $0x0  }
0x15b: {  	[sflag:s2] =	ssyncadd.s32 $0xFFFFC000  }
0x15c: {  	_ =	swait.ge [sflag:s2], $0x2400  }
0x15d: {  	[sflag:s2] =	ssyncset.done $0x0  }
0x15e: {  	s7 =	simm.s32 $0x200;
	s3 =	simm.s32 $0x0;
	[sflag:s2] =	ssyncadd.s32 $0xFFFFDC00  }
.LBB2_18:
0x15f: {  	p0 =	sne.s32 s7, $0x18E00;
	v0 =	vld [tilespmem:s3+$0x1970]  }
0x160: {  	v1 =	vld [tilespmem:s3+$0x1900]  }
0x161: {  	v2 =	vld [tilespmem:s3+$0x1910]  }
0x162: {  	v3 =	vld [tilespmem:s3+$0x1920]  }
0x163: {  	v4 =	vld [tilespmem:s3+$0x1930]  }
0x164: {  	[tilespmem:s3+$0xE170] =	vst.add.f32.msk $0xffff, v0  }
0x165: {  	v0 =	vld [tilespmem:s3+$0x1940]  }
0x166: {  	v5 =	vld [tilespmem:s3+$0x1950]  }
0x167: {  	v6 =	vld [tilespmem:s3+$0x1960]  }
0x168: {  	[tilespmem:s3+$0xE100] =	vst.add.f32.msk $0xffff, v1  }
0x169: {  	[tilespmem:s3+$0xE110] =	vst.add.f32.msk $0xffff, v2  }
.Ltmp8:
0x16a: {  	[tilespmem:s3+$0xE120] =	vst.add.f32.msk $0xffff, v3;
	(pc) =	sbr.rel @p0 .LBB2_18-.Ltmp8, $4  }
0x16b: {  	[tilespmem:s3+$0xE130] =	vst.add.f32.msk $0xffff, v4  }
0x16c: {  	[tilespmem:s3+$0xE140] =	vst.add.f32.msk $0xffff, v0  }
0x16d: {  	[tilespmem:s3+$0xE150] =	vst.add.f32.msk $0xffff, v5  }
0x16e: {  	[tilespmem:s3+$0xE160] =	vst.add.f32.msk $0xffff, v6;
	s3 =	sshra.s32 s7, $0x2;
	s7 =	sadd.s32 $0x200, s7  }
0x16f: {  	v0 =	vld [tilespmem:s3+$0x1970]  }
0x170: {  	v1 =	vld [tilespmem:s3+$0x1900]  }
0x171: {  	v2 =	vld [tilespmem:s3+$0x1910]  }
0x172: {  	v3 =	vld [tilespmem:s3+$0x1920]  }
0x173: {  	v4 =	vld [tilespmem:s3+$0x1930]  }
0x174: {  	v63 =	vld [tilespmem:s3+$0x1940]  }
0x175: {  	v5 =	vld [tilespmem:s3+$0x1950]  }
0x176: {  	v6 =	vld [tilespmem:s3+$0x1960]  }
0x177: {  	[tilespmem:s3+$0xE170] =	vst.add.f32.msk $0xffff, v0  }
0x178: {  	[tilespmem:s3+$0xE100] =	vst.add.f32.msk $0xffff, v1  }
0x179: {  	[tilespmem:s3+$0xE110] =	vst.add.f32.msk $0xffff, v2  }
0x17a: {  	[tilespmem:s3+$0xE120] =	vst.add.f32.msk $0xffff, v3  }
0x17b: {  	[tilespmem:s3+$0xE130] =	vst.add.f32.msk $0xffff, v4  }
0x17c: {  	[tilespmem:s3+$0xE140] =	vst.add.f32.msk $0xffff, v63  }
0x17d: {  	[tilespmem:s3+$0xE150] =	vst.add.f32.msk $0xffff, v5  }
0x17e: {  	s17 =	sadd.s32 $0x1, s17;
	[tilespmem:s3+$0xE160] =	vst.add.f32.msk $0xffff, v6  }
0x17f: {  	[hbm4b:s14+s6] =	stream.linear.scatter [tilespmem:s23], [sflag:$0x5], $0x6400, $0x38;
	[tilespmem:$0x1A900] =	vst v63  }
0x180: {  	p0 =	sne.s32 s17, s15;
	_ =	swait.ge [sflag:s0], $0x6400  }
.Ltmp9:
0x181: {  	[sflag:s0] =	ssyncset.done $0x0;
	(pc) =	sbr.rel @p0 .LBB2_1-.Ltmp9, $4  }
0x182: {  	[sflag:s0] =	ssyncadd.s32 $0xFFFF9C00  }
0x183: {  	_ =	swait.ge [sflag:s24], $0x6400  }
0x184: {  	[sflag:s24] =	ssyncset.done $0x0  }
0x185: {  	[sflag:s24] =	ssyncadd.s32 $0xFFFF9C00  }
0x186: {  	_ =	sfence.sel $0x180000  }
0x187: {  	[bflag:$0x0] =	sbarrier.arrive $0xFFFF  }
0x188: {  	_ =	strace $0x90000047  }
0x189: {  	s0 =	stileid.u32;
	[bflag:$0x2] =	sbarrier.arrive $0xFFFF  }
0x18a: {  	p0 =	sne.s32 s0, $0x0;
	s0 =	rddreg [dreg:$0x4]  }
0x18b: {  	s0 =	sadd.s32 @!p0 $0x100000, s0  }
0x18c: {  	[sflag:s0] =	ssyncadd.tile.s32 @!p0 $0x1;
	_ =	shalt  }
.Lfunc_end2:
_tile_overlayer_lowered:
.L_overlay_start_2:
0x18d: {  	(tag) =	ssettag $0x2  }
0x18e: {  	s0 =	rddreg [dreg:$0x0];
	s2 =	stileid.u32  }
0x18f: {  	s1 =	rddreg [dreg:$0x1];
	p0 =	sne.s32 s2, $0x0  }
0x190: {  	s3 =	rddreg [dreg:$0x2];
	[bflag:$0x3] =	sbarrier.arrive $0xFFFF;
	s2 =	simm.s32 @!p0 $0x1C07  }
0x191: {  	[timem:s3], [sflag:s2] =	dma.local @!p0 [hbm:s0], s1  }
0x192: {  	s0 =	simm.s32 @!p0 $0x7  }
0x193: {  	_ =	swait.ge @!p0 [sflag:s0], s1  }
0x194: {  	s1 =	ssub.s32 @!p0 $0x0, s1;
	[sflag:s0] =	ssyncset.done @!p0 $0x0  }
0x195: {  	[sflag:s0] =	ssyncadd.s32 @!p0 s1  }
0x196: {  	[bflag:$0x3] =	sbarrier.arrive $0xFFFF  }
0x197: {  	_ =	shalt  }

</sc_bundles>
